<compile_context>
chip_gen: v7x
topology: tpu7x:2x2x1
jax: 0.10.2.dev20260603
libtpu: 0.0.44.dev20260713+nightly
codegen_flags: <defaults>
</compile_context>

<pallas_src>
import functools

import jax
import jax.numpy as jnp
from jax import lax
from jax.experimental import pallas as pl
from jax.experimental.pallas import tpu as pltpu
from jax.experimental.pallas import tpu_sc as plsc

_NC = 2
_NS = 16
_NW = _NC * _NS
_LANES = 16


def _table_mlp(features, w, b):
    n, d = features.shape
    rb = 5000
    assert n % 2 == 0 and (n // 2) % rb == 0

    def pack_half(t, d):
        h = d // 2
        a16 = t[:, :h].astype(jnp.bfloat16).astype(jnp.float32)
        b16 = t[:, h:].astype(jnp.bfloat16).astype(jnp.float32)
        au = jax.lax.bitcast_convert_type(a16, jnp.uint32) >> 16
        bu = jax.lax.bitcast_convert_type(b16, jnp.uint32) & jnp.uint32(0xFFFF0000)
        return au | bu

    def body(xa_ref, xb_ref, w_ref, b_ref, o_ref):
        w = w_ref[...]
        bias = b_ref[...]
        ta = jnp.maximum(
            jnp.dot(xa_ref[...], w, preferred_element_type=jnp.float32) + bias,
            0.0)
        tb = jnp.maximum(
            jnp.dot(xb_ref[...], w, preferred_element_type=jnp.float32) + bias,
            0.0)
        packed = jnp.concatenate([pack_half(ta, d), pack_half(tb, d)], axis=1)
        o_ref[...] = jax.lax.bitcast_convert_type(packed, jnp.int32)

    nh = n // 2
    grid = nh // rb
    return pl.pallas_call(
        body,
        grid=(grid,),
        in_specs=[
            pl.BlockSpec((rb, d), lambda i: (i, 0)),
            pl.BlockSpec((rb, d), lambda i, g=grid: (i + g, 0)),
            pl.BlockSpec((d, d), lambda i: (0, 0)),
            pl.BlockSpec((1, d), lambda i: (0, 0)),
        ],
        out_specs=pl.BlockSpec((rb, d), lambda i: (i, 0)),
        out_shape=jax.ShapeDtypeStruct((nh, d), jnp.int32),
    )(features, features, w, b.reshape(1, d))


def _out_matmul(nodef, agg, w2, b_rows):
    d = nodef.shape[1]
    u = w2.shape[1]
    rb = 1000
    assert b_rows % rb == 0

    def body(nf_ref, ag_ref, w_ref, o_ref):
        top = jnp.dot(nf_ref[...], w_ref[0:d, :], preferred_element_type=jnp.float32)
        bot = jnp.dot(ag_ref[...], w_ref[d:2 * d, :], preferred_element_type=jnp.float32)
        o_ref[...] = jnp.maximum(top + bot, 0.0)

    return pl.pallas_call(
        body,
        grid=(b_rows // rb,),
        in_specs=[
            pl.BlockSpec((rb, d), lambda i: (i, 0)),
            pl.BlockSpec((rb, d), lambda i: (i, 0)),
            pl.BlockSpec((2 * d, u), lambda i: (0, 0)),
        ],
        out_specs=pl.BlockSpec((rb, u), lambda i: (i, 0)),
        out_shape=jax.ShapeDtypeStruct((b_rows, u), jnp.float32),
    )(nodef, agg, w2)


def _sc_node_gather(node_idx, features, b, d):
    bw = ((b + _NW - 1) // _NW + 63) // 64 * 64
    rows_per_gather = 64
    ng = bw // rows_per_gather
    assert b >= bw and (b - bw) % 8 == 0

    mesh = plsc.VectorSubcoreMesh(core_axis_name="c", subcore_axis_name="s")

    @functools.partial(
        pl.kernel,
        out_type=jax.ShapeDtypeStruct((b, d), jnp.float32),
        mesh=mesh,
        compiler_params=pltpu.CompilerParams(use_tc_tiling_on_sc=False),
        scratch_types=[
            pltpu.VMEM((bw,), jnp.int32),
            pltpu.VMEM((bw, d), jnp.float32),
            pltpu.SemaphoreType.DMA,
        ],
    )
    def sc_kernel(node_hbm, feat_hbm, nodef_out, idx_nd, rows, sem):
        wid = lax.axis_index("s") * _NC + lax.axis_index("c")
        base = jnp.minimum(wid * bw, b - bw)
        pltpu.sync_copy(node_hbm.at[pl.ds(base, bw)], idx_nd)
        cps = []
        for j in range(ng):
            sl = pl.ds(j * rows_per_gather, rows_per_gather)
            cps.append(pltpu.make_async_copy(
                feat_hbm.at[idx_nd.at[sl]], rows.at[sl], sem))
        for cp in cps:
            cp.start()
        for cp in cps:
            cp.wait()
        pltpu.sync_copy(rows, nodef_out.at[pl.ds(base, bw)])

    return sc_kernel(node_idx, features)


def _sc_gather_mean(nb_idx, t_table, b, d, k):
    c = 20
    bw = ((b + _NW - 1) // _NW + 2 * c - 1) // (2 * c) * (2 * c)
    nch = bw // c
    assert b >= bw and ((b - c) * k) % 8 == 0 and (c * k) % 8 == 0
    h = d // 2
    g = h // _LANES
    rows_per_gather = 128
    ng = (c * k) // rows_per_gather
    assert bw % c == 0 and (c * k) % rows_per_gather == 0 and nch % 2 == 0

    mesh = plsc.VectorSubcoreMesh(core_axis_name="c", subcore_axis_name="s")

    @functools.partial(
        pl.kernel,
        out_type=jax.ShapeDtypeStruct((b, d), jnp.float32),
        mesh=mesh,
        compiler_params=pltpu.CompilerParams(use_tc_tiling_on_sc=False),
        scratch_types=[
            [pltpu.VMEM((c * k,), jnp.int32)] * 2,
            [pltpu.VMEM((c * k, h), jnp.int32)] * 2,
            [pltpu.VMEM((c, d), jnp.float32)] * 2,
            [pltpu.SemaphoreType.DMA] * 2,
            [pltpu.SemaphoreType.DMA] * 2,
        ],
    )
    def sc_kernel(nb_hbm, t_hbm, agg_out, idx_nb, rows, accbuf, sem, osem):
        wid = lax.axis_index("s") * _NC + lax.axis_index("c")
        base0 = wid * bw

        def gather_copies(p):
            cps = []
            for j in range(ng):
                sl = pl.ds(j * rows_per_gather, rows_per_gather)
                cps.append(pltpu.make_async_copy(
                    t_hbm.at[idx_nb[p].at[sl]], rows[p].at[sl], sem[p]))
            return cps

        def out_copies(p, base):
            return [
                pltpu.make_async_copy(accbuf[p],
                                      agg_out.at[pl.ds(base, c)], osem[p]),
            ]

        def stage(p, ch):
            base = jnp.minimum(base0 + ch * c, b - c)
            pltpu.sync_copy(nb_hbm.at[pl.ds(base * k, c * k)], idx_nb[p])

            @pl.when(ch >= 2)
            def _():
                for cp in out_copies(p, base):
                    cp.wait()

            for cp in gather_copies(p):
                cp.start()

        def drain(p):
            for cp in gather_copies(p):
                cp.wait()

        def compute(p, ch):
            base = jnp.minimum(base0 + ch * c, b - c)

            def node_body(i, carry2):
                r0 = i * k
                himask = jnp.int32(-65536)

                def kacc(kk, accs):
                    lo = list(accs[:g])
                    hi = list(accs[g:])
                    for u in range(4):
                        r = r0 + kk * 4 + u
                        for gg in range(g):
                            w = rows[p][r, pl.ds(gg * _LANES, _LANES)]
                            lo[gg] = lo[gg] + lax.bitcast_convert_type(
                                w << 16, jnp.float32)
                            hi[gg] = hi[gg] + lax.bitcast_convert_type(
                                w & himask, jnp.float32)
                    return tuple(lo) + tuple(hi)

                zero = jnp.zeros((_LANES,), jnp.float32)
                accs = lax.fori_loop(0, k // 4, kacc, (zero,) * (2 * g))
                for gg in range(g):
                    accbuf[p][i, pl.ds(gg * _LANES, _LANES)] = (
                        accs[gg] * (1.0 / k))
                    accbuf[p][i, pl.ds(h + gg * _LANES, _LANES)] = (
                        accs[g + gg] * (1.0 / k))
                return carry2

            lax.fori_loop(0, c, node_body, 0)
            for cp in out_copies(p, base):
                cp.start()

        stage(0, 0)

        def loop_body(ch2, carry):
            ch = ch2 * 2
            stage(1, ch + 1)
            drain(0)
            compute(0, ch)
            stage(0, ch + 2)
            drain(1)
            compute(1, ch + 1)
            return carry

        lax.fori_loop(0, nch // 2, loop_body, 0)
        drain(0)
        for cp in out_copies(1, base0):
            cp.wait()

    return sc_kernel(nb_idx, t_table)


def kernel(features, node, neighbours, raw_features, W_dense, b_dense, neigh_weights):
    n, d = features.shape
    b, k = neighbours.shape

    node_flat = node.reshape(-1).astype(jnp.int32)
    nb_flat = neighbours.astype(jnp.int32).reshape(-1)

    nodef = _sc_node_gather(node_flat, features, b, d)
    t_table = _table_mlp(features, W_dense, b_dense)
    t64 = t_table.reshape(n, d // 2)
    nh = n // 2
    nb_flat = jnp.where(nb_flat < nh, 2 * nb_flat, 2 * (nb_flat - nh) + 1)
    agg = _sc_gather_mean(nb_flat, t64, b, d, k)
    out = _out_matmul(nodef, agg, neigh_weights, b)
    return (out, raw_features)

# --- scband reference (transcript-rebuilt; emitter-appended) ---
"""Pipeline reference for scband-pooling-aggregator-5076651344591 (READ-ONLY COPY).

The authoritative reference and input builder live on the scoring server;
editing this copy changes nothing except your own understanding.
"""

import jax, jax.numpy as jnp
import numpy as np

N, D, B, K, U = 100000, 128, 10000, 32, 128

def setup_inputs(seed: int = 0) -> dict:
    key = jax.random.key(seed)
    ks = jax.random.split(key, 8)
    features = jax.random.normal(ks[0], (N, D), dtype=jnp.float32)
    raw_features = jax.random.normal(ks[1], (N, D), dtype=jnp.float32)
    node = jax.random.randint(ks[2], (B, 1), 0, N)
    neighbours = jax.random.randint(ks[3], (B, K), 0, N)
    # Dense(input_dim) layer params (glorot_uniform kernel, zero bias)
    lim = np.sqrt(6.0 / (D + D)).astype(np.float32)
    W_dense = jax.random.uniform(ks[4], (D, D), minval=-lim, maxval=lim, dtype=jnp.float32)
    b_dense = jnp.zeros((D,), dtype=jnp.float32)
    # neigh_weights: glorot_uniform of shape (2*input_dim, output_dim)
    lim2 = np.sqrt(6.0 / (2 * D + U)).astype(np.float32)
    neigh_weights = jax.random.uniform(ks[5], (2 * D, U), minval=-lim2, maxval=lim2, dtype=jnp.float32)
    return {
        "features": features,
        "node": node,
        "neighbours": neighbours,
        "raw_features": raw_features,
        "W_dense": W_dense,
        "b_dense": b_dense,
        "neigh_weights": neigh_weights,
    }

def reference(features, node, neighbours, raw_features, W_dense, b_dense, neigh_weights):
    # embedding lookups (gathers)
    node_feat = jnp.take(features, node, axis=0)        # [B, 1, D]
    neigh_feat = jnp.take(features, neighbours, axis=0)  # [B, K, D]
    b, k = neigh_feat.shape[0], neigh_feat.shape[1]
    h = neigh_feat.reshape(b * k, D)
    # per-neighbor MLP: Dense(D, relu)
    h = jax.nn.relu(h @ W_dense + b_dense)
    h = h.reshape(b, k, -1)
    # meanpooling aggregator
    neigh_agg = jnp.mean(h, axis=1)                      # [B, D]
    out = jnp.concatenate([jnp.squeeze(node_feat, axis=1), neigh_agg], axis=-1)  # [B, 2D]
    out = out @ neigh_weights                            # [B, U]
    out = jax.nn.relu(out)
    return (out, raw_features)

if __name__ == "__main__":
    import jax
    _d = setup_inputs()
    print(jax.jit(kernel)(*tuple(_d.values())))

</pallas_src>

<mosaic_0001>
#map = affine_map<(d0, d1) -> (0)>
#map1 = affine_map<(d0, d1) -> (0, 0)>
module attributes {stable_mosaic.version = 14 : i64} {
  func.func @sc_kernel(%arg0: i32, %arg1: i32, %arg2: memref<10000xi32, #tpu.memory_space<hbm>>, %arg3: memref<100000x128xf32, #tpu.memory_space<hbm>>, %arg4: memref<10000x128xf32, #tpu.memory_space<hbm>>, %arg5: memref<320xi32, #tpu.memory_space<vmem>>, %arg6: memref<320x128xf32, #tpu.memory_space<vmem>>, %arg7: memref<!tpu.dma_semaphore, #tpu.memory_space<semaphore_mem>>) attributes {dimension_semantics = [#tpu.dimension_semantics<core_parallel>, #tpu.dimension_semantics<subcore_parallel>], iteration_bounds = array<i64: 2, 16>, scalar_prefetch = 0 : i64, scratch_operands = 3 : i64, tpu.core_type = #tpu.core_type<sc_vector_subcore>, window_params = [{transform_indices = #map}, {transform_indices = #map1}, {transform_indices = #map1}]} {
    %mul3A = arith.constant 2 : i32
    %mul3A_0 = arith.muli %arg1, %mul3A : i32
    %add3A = arith.addi %mul3A_0, %arg0 : i32
    %mul3A_1 = arith.constant 320 : i32
    %mul3A_2 = arith.muli %add3A, %mul3A_1 : i32
    %min3A = arith.constant 9680 : i32
    %min3A_3 = arith.minsi %mul3A_2, %min3A : i32
    "tpu.region"() ({
      %run_scoped3A = tpu.sem_alloc : memref<!tpu.dma_semaphore, #tpu.memory_space<semaphore_mem>>
      %dma_start3A_82 = tpu.memref_slice %arg2[%min3A_3] : memref<10000xi32, #tpu.memory_space<hbm>> -> memref<320xi32, #tpu.memory_space<hbm>>
      %dma_start3A_83 = tpu.memref_slice %arg2[%min3A_3] : memref<10000xi32, #tpu.memory_space<hbm>> -> memref<320xi32, #tpu.memory_space<hbm>>
      tpu.enqueue_dma source(%dma_start3A_83 : memref<320xi32, #tpu.memory_space<hbm>>) target(%arg5 : memref<320xi32, #tpu.memory_space<vmem>>) target_semaphore(%run_scoped3A : memref<!tpu.dma_semaphore, #tpu.memory_space<semaphore_mem>>)
      %dma_wait3A_84 = tpu.memref_slice %arg2[%min3A_3] : memref<10000xi32, #tpu.memory_space<hbm>> -> memref<320xi32, #tpu.memory_space<hbm>>
      %dma_wait3A_85 = tpu.memref_slice %arg2[%min3A_3] : memref<10000xi32, #tpu.memory_space<hbm>> -> memref<320xi32, #tpu.memory_space<hbm>>
      tpu.wait_dma2 semaphore(%run_scoped3A : memref<!tpu.dma_semaphore, #tpu.memory_space<semaphore_mem>>) src(%dma_wait3A_85 : memref<320xi32, #tpu.memory_space<hbm>>) dst(%arg5 : memref<320xi32, #tpu.memory_space<vmem>>)
      tpu.yield
    }) : () -> ()
    %dma_start3A = arith.constant 0 : i32
    %dma_start3A_4 = arith.constant 0 : i32
    %dma_start3A_5 = tpu.memref_slice %arg6[%dma_start3A, %dma_start3A_4] : memref<320x128xf32, #tpu.memory_space<vmem>> -> memref<64x128xf32, #tpu.memory_space<vmem>>
    %dma_start3A_6 = arith.constant 0 : i32
    %dma_start3A_7 = tpu.memref_slice %arg5[%dma_start3A_6] : memref<320xi32, #tpu.memory_space<vmem>> -> memref<64xi32, #tpu.memory_space<vmem>>
    %dma_start3A_8 = arith.constant 0 : i32
    %dma_start3A_9 = arith.constant 0 : i32
    %dma_start3A_10 = tpu.memref_slice %arg3[%dma_start3A_8, %dma_start3A_9] : memref<100000x128xf32, #tpu.memory_space<hbm>> -> memref<100000x128xf32, #tpu.memory_space<hbm>>
    tpu.enqueue_indirect_dma source(%dma_start3A_10 : memref<100000x128xf32, #tpu.memory_space<hbm>>) target(%dma_start3A_5 : memref<64x128xf32, #tpu.memory_space<vmem>>) offsets(%dma_start3A_7 : memref<64xi32, #tpu.memory_space<vmem>>) semaphore(%arg7 : memref<!tpu.dma_semaphore, #tpu.memory_space<semaphore_mem>>)
    %dma_start3A_11 = arith.constant 64 : i32
    %dma_start3A_12 = arith.constant 0 : i32
    %dma_start3A_13 = tpu.memref_slice %arg6[%dma_start3A_11, %dma_start3A_12] : memref<320x128xf32, #tpu.memory_space<vmem>> -> memref<64x128xf32, #tpu.memory_space<vmem>>
    %dma_start3A_14 = arith.constant 64 : i32
    %dma_start3A_15 = tpu.memref_slice %arg5[%dma_start3A_14] : memref<320xi32, #tpu.memory_space<vmem>> -> memref<64xi32, #tpu.memory_space<vmem>>
    %dma_start3A_16 = arith.constant 0 : i32
    %dma_start3A_17 = arith.constant 0 : i32
    %dma_start3A_18 = tpu.memref_slice %arg3[%dma_start3A_16, %dma_start3A_17] : memref<100000x128xf32, #tpu.memory_space<hbm>> -> memref<100000x128xf32, #tpu.memory_space<hbm>>
    tpu.enqueue_indirect_dma source(%dma_start3A_18 : memref<100000x128xf32, #tpu.memory_space<hbm>>) target(%dma_start3A_13 : memref<64x128xf32, #tpu.memory_space<vmem>>) offsets(%dma_start3A_15 : memref<64xi32, #tpu.memory_space<vmem>>) semaphore(%arg7 : memref<!tpu.dma_semaphore, #tpu.memory_space<semaphore_mem>>)
    %dma_start3A_19 = arith.constant 128 : i32
    %dma_start3A_20 = arith.constant 0 : i32
    %dma_start3A_21 = tpu.memref_slice %arg6[%dma_start3A_19, %dma_start3A_20] : memref<320x128xf32, #tpu.memory_space<vmem>> -> memref<64x128xf32, #tpu.memory_space<vmem>>
    %dma_start3A_22 = arith.constant 128 : i32
    %dma_start3A_23 = tpu.memref_slice %arg5[%dma_start3A_22] : memref<320xi32, #tpu.memory_space<vmem>> -> memref<64xi32, #tpu.memory_space<vmem>>
    %dma_start3A_24 = arith.constant 0 : i32
    %dma_start3A_25 = arith.constant 0 : i32
    %dma_start3A_26 = tpu.memref_slice %arg3[%dma_start3A_24, %dma_start3A_25] : memref<100000x128xf32, #tpu.memory_space<hbm>> -> memref<100000x128xf32, #tpu.memory_space<hbm>>
    tpu.enqueue_indirect_dma source(%dma_start3A_26 : memref<100000x128xf32, #tpu.memory_space<hbm>>) target(%dma_start3A_21 : memref<64x128xf32, #tpu.memory_space<vmem>>) offsets(%dma_start3A_23 : memref<64xi32, #tpu.memory_space<vmem>>) semaphore(%arg7 : memref<!tpu.dma_semaphore, #tpu.memory_space<semaphore_mem>>)
    %dma_start3A_27 = arith.constant 192 : i32
    %dma_start3A_28 = arith.constant 0 : i32
    %dma_start3A_29 = tpu.memref_slice %arg6[%dma_start3A_27, %dma_start3A_28] : memref<320x128xf32, #tpu.memory_space<vmem>> -> memref<64x128xf32, #tpu.memory_space<vmem>>
    %dma_start3A_30 = arith.constant 192 : i32
    %dma_start3A_31 = tpu.memref_slice %arg5[%dma_start3A_30] : memref<320xi32, #tpu.memory_space<vmem>> -> memref<64xi32, #tpu.memory_space<vmem>>
    %dma_start3A_32 = arith.constant 0 : i32
    %dma_start3A_33 = arith.constant 0 : i32
    %dma_start3A_34 = tpu.memref_slice %arg3[%dma_start3A_32, %dma_start3A_33] : memref<100000x128xf32, #tpu.memory_space<hbm>> -> memref<100000x128xf32, #tpu.memory_space<hbm>>
    tpu.enqueue_indirect_dma source(%dma_start3A_34 : memref<100000x128xf32, #tpu.memory_space<hbm>>) target(%dma_start3A_29 : memref<64x128xf32, #tpu.memory_space<vmem>>) offsets(%dma_start3A_31 : memref<64xi32, #tpu.memory_space<vmem>>) semaphore(%arg7 : memref<!tpu.dma_semaphore, #tpu.memory_space<semaphore_mem>>)
    %dma_start3A_35 = arith.constant 256 : i32
    %dma_start3A_36 = arith.constant 0 : i32
    %dma_start3A_37 = tpu.memref_slice %arg6[%dma_start3A_35, %dma_start3A_36] : memref<320x128xf32, #tpu.memory_space<vmem>> -> memref<64x128xf32, #tpu.memory_space<vmem>>
    %dma_start3A_38 = arith.constant 256 : i32
    %dma_start3A_39 = tpu.memref_slice %arg5[%dma_start3A_38] : memref<320xi32, #tpu.memory_space<vmem>> -> memref<64xi32, #tpu.memory_space<vmem>>
    %dma_start3A_40 = arith.constant 0 : i32
    %dma_start3A_41 = arith.constant 0 : i32
    %dma_start3A_42 = tpu.memref_slice %arg3[%dma_start3A_40, %dma_start3A_41] : memref<100000x128xf32, #tpu.memory_space<hbm>> -> memref<100000x128xf32, #tpu.memory_space<hbm>>
    tpu.enqueue_indirect_dma source(%dma_start3A_42 : memref<100000x128xf32, #tpu.memory_space<hbm>>) target(%dma_start3A_37 : memref<64x128xf32, #tpu.memory_space<vmem>>) offsets(%dma_start3A_39 : memref<64xi32, #tpu.memory_space<vmem>>) semaphore(%arg7 : memref<!tpu.dma_semaphore, #tpu.memory_space<semaphore_mem>>)
    %dma_wait3A = arith.constant 0 : i32
    %dma_wait3A_43 = arith.constant 0 : i32
    %dma_wait3A_44 = tpu.memref_slice %arg6[%dma_wait3A, %dma_wait3A_43] : memref<320x128xf32, #tpu.memory_space<vmem>> -> memref<64x128xf32, #tpu.memory_space<vmem>>
    %dma_wait3A_45 = arith.constant 0 : i32
    %dma_wait3A_46 = tpu.memref_slice %arg5[%dma_wait3A_45] : memref<320xi32, #tpu.memory_space<vmem>> -> memref<64xi32, #tpu.memory_space<vmem>>
    %dma_wait3A_47 = arith.constant 0 : i32
    %dma_wait3A_48 = arith.constant 0 : i32
    %dma_wait3A_49 = tpu.memref_slice %arg3[%dma_wait3A_47, %dma_wait3A_48] : memref<100000x128xf32, #tpu.memory_space<hbm>> -> memref<100000x128xf32, #tpu.memory_space<hbm>>
    tpu.wait_indirect_dma semaphore(%arg7 : memref<!tpu.dma_semaphore, #tpu.memory_space<semaphore_mem>>) src(%dma_wait3A_49 : memref<100000x128xf32, #tpu.memory_space<hbm>>) dst(%dma_wait3A_44 : memref<64x128xf32, #tpu.memory_space<vmem>>)
    %dma_wait3A_50 = arith.constant 64 : i32
    %dma_wait3A_51 = arith.constant 0 : i32
    %dma_wait3A_52 = tpu.memref_slice %arg6[%dma_wait3A_50, %dma_wait3A_51] : memref<320x128xf32, #tpu.memory_space<vmem>> -> memref<64x128xf32, #tpu.memory_space<vmem>>
    %dma_wait3A_53 = arith.constant 64 : i32
    %dma_wait3A_54 = tpu.memref_slice %arg5[%dma_wait3A_53] : memref<320xi32, #tpu.memory_space<vmem>> -> memref<64xi32, #tpu.memory_space<vmem>>
    %dma_wait3A_55 = arith.constant 0 : i32
    %dma_wait3A_56 = arith.constant 0 : i32
    %dma_wait3A_57 = tpu.memref_slice %arg3[%dma_wait3A_55, %dma_wait3A_56] : memref<100000x128xf32, #tpu.memory_space<hbm>> -> memref<100000x128xf32, #tpu.memory_space<hbm>>
    tpu.wait_indirect_dma semaphore(%arg7 : memref<!tpu.dma_semaphore, #tpu.memory_space<semaphore_mem>>) src(%dma_wait3A_57 : memref<100000x128xf32, #tpu.memory_space<hbm>>) dst(%dma_wait3A_52 : memref<64x128xf32, #tpu.memory_space<vmem>>)
    %dma_wait3A_58 = arith.constant 128 : i32
    %dma_wait3A_59 = arith.constant 0 : i32
    %dma_wait3A_60 = tpu.memref_slice %arg6[%dma_wait3A_58, %dma_wait3A_59] : memref<320x128xf32, #tpu.memory_space<vmem>> -> memref<64x128xf32, #tpu.memory_space<vmem>>
    %dma_wait3A_61 = arith.constant 128 : i32
    %dma_wait3A_62 = tpu.memref_slice %arg5[%dma_wait3A_61] : memref<320xi32, #tpu.memory_space<vmem>> -> memref<64xi32, #tpu.memory_space<vmem>>
    %dma_wait3A_63 = arith.constant 0 : i32
    %dma_wait3A_64 = arith.constant 0 : i32
    %dma_wait3A_65 = tpu.memref_slice %arg3[%dma_wait3A_63, %dma_wait3A_64] : memref<100000x128xf32, #tpu.memory_space<hbm>> -> memref<100000x128xf32, #tpu.memory_space<hbm>>
    tpu.wait_indirect_dma semaphore(%arg7 : memref<!tpu.dma_semaphore, #tpu.memory_space<semaphore_mem>>) src(%dma_wait3A_65 : memref<100000x128xf32, #tpu.memory_space<hbm>>) dst(%dma_wait3A_60 : memref<64x128xf32, #tpu.memory_space<vmem>>)
    %dma_wait3A_66 = arith.constant 192 : i32
    %dma_wait3A_67 = arith.constant 0 : i32
    %dma_wait3A_68 = tpu.memref_slice %arg6[%dma_wait3A_66, %dma_wait3A_67] : memref<320x128xf32, #tpu.memory_space<vmem>> -> memref<64x128xf32, #tpu.memory_space<vmem>>
    %dma_wait3A_69 = arith.constant 192 : i32
    %dma_wait3A_70 = tpu.memref_slice %arg5[%dma_wait3A_69] : memref<320xi32, #tpu.memory_space<vmem>> -> memref<64xi32, #tpu.memory_space<vmem>>
    %dma_wait3A_71 = arith.constant 0 : i32
    %dma_wait3A_72 = arith.constant 0 : i32
    %dma_wait3A_73 = tpu.memref_slice %arg3[%dma_wait3A_71, %dma_wait3A_72] : memref<100000x128xf32, #tpu.memory_space<hbm>> -> memref<100000x128xf32, #tpu.memory_space<hbm>>
    tpu.wait_indirect_dma semaphore(%arg7 : memref<!tpu.dma_semaphore, #tpu.memory_space<semaphore_mem>>) src(%dma_wait3A_73 : memref<100000x128xf32, #tpu.memory_space<hbm>>) dst(%dma_wait3A_68 : memref<64x128xf32, #tpu.memory_space<vmem>>)
    %dma_wait3A_74 = arith.constant 256 : i32
    %dma_wait3A_75 = arith.constant 0 : i32
    %dma_wait3A_76 = tpu.memref_slice %arg6[%dma_wait3A_74, %dma_wait3A_75] : memref<320x128xf32, #tpu.memory_space<vmem>> -> memref<64x128xf32, #tpu.memory_space<vmem>>
    %dma_wait3A_77 = arith.constant 256 : i32
    %dma_wait3A_78 = tpu.memref_slice %arg5[%dma_wait3A_77] : memref<320xi32, #tpu.memory_space<vmem>> -> memref<64xi32, #tpu.memory_space<vmem>>
    %dma_wait3A_79 = arith.constant 0 : i32
    %dma_wait3A_80 = arith.constant 0 : i32
    %dma_wait3A_81 = tpu.memref_slice %arg3[%dma_wait3A_79, %dma_wait3A_80] : memref<100000x128xf32, #tpu.memory_space<hbm>> -> memref<100000x128xf32, #tpu.memory_space<hbm>>
    tpu.wait_indirect_dma semaphore(%arg7 : memref<!tpu.dma_semaphore, #tpu.memory_space<semaphore_mem>>) src(%dma_wait3A_81 : memref<100000x128xf32, #tpu.memory_space<hbm>>) dst(%dma_wait3A_76 : memref<64x128xf32, #tpu.memory_space<vmem>>)
    "tpu.region"() ({
      %run_scoped3A = tpu.sem_alloc : memref<!tpu.dma_semaphore, #tpu.memory_space<semaphore_mem>>
      %dma_start3A_82 = arith.constant 0 : i32
      %dma_start3A_83 = tpu.memref_slice %arg4[%min3A_3, %dma_start3A_82] : memref<10000x128xf32, #tpu.memory_space<hbm>> -> memref<320x128xf32, #tpu.memory_space<hbm>>
      %dma_start3A_84 = arith.constant 0 : i32
      %dma_start3A_85 = tpu.memref_slice %arg4[%min3A_3, %dma_start3A_84] : memref<10000x128xf32, #tpu.memory_space<hbm>> -> memref<320x128xf32, #tpu.memory_space<hbm>>
      tpu.enqueue_dma source(%arg6 : memref<320x128xf32, #tpu.memory_space<vmem>>) target(%dma_start3A_85 : memref<320x128xf32, #tpu.memory_space<hbm>>) target_semaphore(%run_scoped3A : memref<!tpu.dma_semaphore, #tpu.memory_space<semaphore_mem>>)
      %dma_wait3A_86 = arith.constant 0 : i32
      %dma_wait3A_87 = tpu.memref_slice %arg4[%min3A_3, %dma_wait3A_86] : memref<10000x128xf32, #tpu.memory_space<hbm>> -> memref<320x128xf32, #tpu.memory_space<hbm>>
      %dma_wait3A_88 = arith.constant 0 : i32
      %dma_wait3A_89 = tpu.memref_slice %arg4[%min3A_3, %dma_wait3A_88] : memref<10000x128xf32, #tpu.memory_space<hbm>> -> memref<320x128xf32, #tpu.memory_space<hbm>>
      tpu.wait_dma2 semaphore(%run_scoped3A : memref<!tpu.dma_semaphore, #tpu.memory_space<semaphore_mem>>) src(%arg6 : memref<320x128xf32, #tpu.memory_space<vmem>>) dst(%dma_wait3A_89 : memref<320x128xf32, #tpu.memory_space<hbm>>)
      tpu.yield
    }) : () -> ()
    return
  }
}

#map = affine_map<(d0, d1) -> (0)>
#map1 = affine_map<(d0, d1) -> (0, 0)>
module attributes {stable_mosaic.version = 14 : i64} {
  func.func @sc_kernel(%arg0: i32, %arg1: i32, %arg2: memref<320000xi32, #tpu.memory_space<hbm>>, %arg3: memref<100000x64xi32, #tpu.memory_space<hbm>>, %arg4: memref<10000x128xf32, #tpu.memory_space<hbm>>, %arg5: memref<640xi32, #tpu.memory_space<vmem>>, %arg6: memref<640xi32, #tpu.memory_space<vmem>>, %arg7: memref<640x64xi32, #tpu.memory_space<vmem>>, %arg8: memref<640x64xi32, #tpu.memory_space<vmem>>, %arg9: memref<20x128xf32, #tpu.memory_space<vmem>>, %arg10: memref<20x128xf32, #tpu.memory_space<vmem>>, %arg11: memref<!tpu.dma_semaphore, #tpu.memory_space<semaphore_mem>>, %arg12: memref<!tpu.dma_semaphore, #tpu.memory_space<semaphore_mem>>, %arg13: memref<!tpu.dma_semaphore, #tpu.memory_space<semaphore_mem>>, %arg14: memref<!tpu.dma_semaphore, #tpu.memory_space<semaphore_mem>>) attributes {dimension_semantics = [#tpu.dimension_semantics<core_parallel>, #tpu.dimension_semantics<subcore_parallel>], iteration_bounds = array<i64: 2, 16>, scalar_prefetch = 0 : i64, scratch_operands = 10 : i64, tpu.core_type = #tpu.core_type<sc_vector_subcore>, window_params = [{transform_indices = #map}, {transform_indices = #map1}, {transform_indices = #map1}]} {
    %mul3A = arith.constant 2 : i32
    %mul3A_0 = arith.muli %arg1, %mul3A : i32
    %add3A = arith.addi %mul3A_0, %arg0 : i32
    %mul3A_1 = arith.constant 320 : i32
    %mul3A_2 = arith.muli %add3A, %mul3A_1 : i32
    %add3A_3 = arith.constant 0 : i32
    %add3A_4 = arith.addi %mul3A_2, %add3A_3 : i32
    %min3A = arith.constant 9980 : i32
    %min3A_5 = arith.minsi %add3A_4, %min3A : i32
    %mul3A_6 = arith.constant 32 : i32
    %mul3A_7 = arith.muli %min3A_5, %mul3A_6 : i32
    "tpu.region"() ({
      %run_scoped3A = tpu.sem_alloc : memref<!tpu.dma_semaphore, #tpu.memory_space<semaphore_mem>>
      %dma_start3A_95 = tpu.memref_slice %arg2[%mul3A_7] : memref<320000xi32, #tpu.memory_space<hbm>> -> memref<640xi32, #tpu.memory_space<hbm>>
      %dma_start3A_96 = tpu.memref_slice %arg2[%mul3A_7] : memref<320000xi32, #tpu.memory_space<hbm>> -> memref<640xi32, #tpu.memory_space<hbm>>
      tpu.enqueue_dma source(%dma_start3A_96 : memref<640xi32, #tpu.memory_space<hbm>>) target(%arg5 : memref<640xi32, #tpu.memory_space<vmem>>) target_semaphore(%run_scoped3A : memref<!tpu.dma_semaphore, #tpu.memory_space<semaphore_mem>>)
      %dma_wait3A_97 = tpu.memref_slice %arg2[%mul3A_7] : memref<320000xi32, #tpu.memory_space<hbm>> -> memref<640xi32, #tpu.memory_space<hbm>>
      %dma_wait3A_98 = tpu.memref_slice %arg2[%mul3A_7] : memref<320000xi32, #tpu.memory_space<hbm>> -> memref<640xi32, #tpu.memory_space<hbm>>
      tpu.wait_dma2 semaphore(%run_scoped3A : memref<!tpu.dma_semaphore, #tpu.memory_space<semaphore_mem>>) src(%dma_wait3A_98 : memref<640xi32, #tpu.memory_space<hbm>>) dst(%arg5 : memref<640xi32, #tpu.memory_space<vmem>>)
      tpu.yield
    }) : () -> ()
    %dma_start3A = arith.constant 0 : i32
    %dma_start3A_8 = arith.constant 0 : i32
    %dma_start3A_9 = tpu.memref_slice %arg7[%dma_start3A, %dma_start3A_8] : memref<640x64xi32, #tpu.memory_space<vmem>> -> memref<128x64xi32, #tpu.memory_space<vmem>>
    %dma_start3A_10 = arith.constant 0 : i32
    %dma_start3A_11 = tpu.memref_slice %arg5[%dma_start3A_10] : memref<640xi32, #tpu.memory_space<vmem>> -> memref<128xi32, #tpu.memory_space<vmem>>
    %dma_start3A_12 = arith.constant 0 : i32
    %dma_start3A_13 = arith.constant 0 : i32
    %dma_start3A_14 = tpu.memref_slice %arg3[%dma_start3A_12, %dma_start3A_13] : memref<100000x64xi32, #tpu.memory_space<hbm>> -> memref<100000x64xi32, #tpu.memory_space<hbm>>
    tpu.enqueue_indirect_dma source(%dma_start3A_14 : memref<100000x64xi32, #tpu.memory_space<hbm>>) target(%dma_start3A_9 : memref<128x64xi32, #tpu.memory_space<vmem>>) offsets(%dma_start3A_11 : memref<128xi32, #tpu.memory_space<vmem>>) semaphore(%arg11 : memref<!tpu.dma_semaphore, #tpu.memory_space<semaphore_mem>>)
    %dma_start3A_15 = arith.constant 128 : i32
    %dma_start3A_16 = arith.constant 0 : i32
    %dma_start3A_17 = tpu.memref_slice %arg7[%dma_start3A_15, %dma_start3A_16] : memref<640x64xi32, #tpu.memory_space<vmem>> -> memref<128x64xi32, #tpu.memory_space<vmem>>
    %dma_start3A_18 = arith.constant 128 : i32
    %dma_start3A_19 = tpu.memref_slice %arg5[%dma_start3A_18] : memref<640xi32, #tpu.memory_space<vmem>> -> memref<128xi32, #tpu.memory_space<vmem>>
    %dma_start3A_20 = arith.constant 0 : i32
    %dma_start3A_21 = arith.constant 0 : i32
    %dma_start3A_22 = tpu.memref_slice %arg3[%dma_start3A_20, %dma_start3A_21] : memref<100000x64xi32, #tpu.memory_space<hbm>> -> memref<100000x64xi32, #tpu.memory_space<hbm>>
    tpu.enqueue_indirect_dma source(%dma_start3A_22 : memref<100000x64xi32, #tpu.memory_space<hbm>>) target(%dma_start3A_17 : memref<128x64xi32, #tpu.memory_space<vmem>>) offsets(%dma_start3A_19 : memref<128xi32, #tpu.memory_space<vmem>>) semaphore(%arg11 : memref<!tpu.dma_semaphore, #tpu.memory_space<semaphore_mem>>)
    %dma_start3A_23 = arith.constant 256 : i32
    %dma_start3A_24 = arith.constant 0 : i32
    %dma_start3A_25 = tpu.memref_slice %arg7[%dma_start3A_23, %dma_start3A_24] : memref<640x64xi32, #tpu.memory_space<vmem>> -> memref<128x64xi32, #tpu.memory_space<vmem>>
    %dma_start3A_26 = arith.constant 256 : i32
    %dma_start3A_27 = tpu.memref_slice %arg5[%dma_start3A_26] : memref<640xi32, #tpu.memory_space<vmem>> -> memref<128xi32, #tpu.memory_space<vmem>>
    %dma_start3A_28 = arith.constant 0 : i32
    %dma_start3A_29 = arith.constant 0 : i32
    %dma_start3A_30 = tpu.memref_slice %arg3[%dma_start3A_28, %dma_start3A_29] : memref<100000x64xi32, #tpu.memory_space<hbm>> -> memref<100000x64xi32, #tpu.memory_space<hbm>>
    tpu.enqueue_indirect_dma source(%dma_start3A_30 : memref<100000x64xi32, #tpu.memory_space<hbm>>) target(%dma_start3A_25 : memref<128x64xi32, #tpu.memory_space<vmem>>) offsets(%dma_start3A_27 : memref<128xi32, #tpu.memory_space<vmem>>) semaphore(%arg11 : memref<!tpu.dma_semaphore, #tpu.memory_space<semaphore_mem>>)
    %dma_start3A_31 = arith.constant 384 : i32
    %dma_start3A_32 = arith.constant 0 : i32
    %dma_start3A_33 = tpu.memref_slice %arg7[%dma_start3A_31, %dma_start3A_32] : memref<640x64xi32, #tpu.memory_space<vmem>> -> memref<128x64xi32, #tpu.memory_space<vmem>>
    %dma_start3A_34 = arith.constant 384 : i32
    %dma_start3A_35 = tpu.memref_slice %arg5[%dma_start3A_34] : memref<640xi32, #tpu.memory_space<vmem>> -> memref<128xi32, #tpu.memory_space<vmem>>
    %dma_start3A_36 = arith.constant 0 : i32
    %dma_start3A_37 = arith.constant 0 : i32
    %dma_start3A_38 = tpu.memref_slice %arg3[%dma_start3A_36, %dma_start3A_37] : memref<100000x64xi32, #tpu.memory_space<hbm>> -> memref<100000x64xi32, #tpu.memory_space<hbm>>
    tpu.enqueue_indirect_dma source(%dma_start3A_38 : memref<100000x64xi32, #tpu.memory_space<hbm>>) target(%dma_start3A_33 : memref<128x64xi32, #tpu.memory_space<vmem>>) offsets(%dma_start3A_35 : memref<128xi32, #tpu.memory_space<vmem>>) semaphore(%arg11 : memref<!tpu.dma_semaphore, #tpu.memory_space<semaphore_mem>>)
    %dma_start3A_39 = arith.constant 512 : i32
    %dma_start3A_40 = arith.constant 0 : i32
    %dma_start3A_41 = tpu.memref_slice %arg7[%dma_start3A_39, %dma_start3A_40] : memref<640x64xi32, #tpu.memory_space<vmem>> -> memref<128x64xi32, #tpu.memory_space<vmem>>
    %dma_start3A_42 = arith.constant 512 : i32
    %dma_start3A_43 = tpu.memref_slice %arg5[%dma_start3A_42] : memref<640xi32, #tpu.memory_space<vmem>> -> memref<128xi32, #tpu.memory_space<vmem>>
    %dma_start3A_44 = arith.constant 0 : i32
    %dma_start3A_45 = arith.constant 0 : i32
    %dma_start3A_46 = tpu.memref_slice %arg3[%dma_start3A_44, %dma_start3A_45] : memref<100000x64xi32, #tpu.memory_space<hbm>> -> memref<100000x64xi32, #tpu.memory_space<hbm>>
    tpu.enqueue_indirect_dma source(%dma_start3A_46 : memref<100000x64xi32, #tpu.memory_space<hbm>>) target(%dma_start3A_41 : memref<128x64xi32, #tpu.memory_space<vmem>>) offsets(%dma_start3A_43 : memref<128xi32, #tpu.memory_space<vmem>>) semaphore(%arg11 : memref<!tpu.dma_semaphore, #tpu.memory_space<semaphore_mem>>)
    %scan3A = arith.constant 0 : i32
    %scan3A_47 = arith.constant 0 : i32
    %scan3A_48 = arith.constant 8 : i32
    %scan3A_49 = arith.addi %scan3A_47, %scan3A_48 : i32
    %scan3A_50 = arith.constant 1 : i32
    scf.for %scan3A_95 = %scan3A_47 to %scan3A_49 step %scan3A_50  : i32 {
      %mul3A_96 = arith.constant 2 : i32
      %mul3A_97 = arith.muli %scan3A_95, %mul3A_96 : i32
      %add3A_98 = arith.constant 1 : i32
      %add3A_99 = arith.addi %mul3A_97, %add3A_98 : i32
      %mul3A_100 = arith.constant 20 : i32
      %mul3A_101 = arith.muli %add3A_99, %mul3A_100 : i32
      %add3A_102 = arith.addi %mul3A_2, %mul3A_101 : i32
      %min3A_103 = arith.constant 9980 : i32
      %min3A_104 = arith.minsi %add3A_102, %min3A_103 : i32
      %mul3A_105 = arith.constant 32 : i32
      %mul3A_106 = arith.muli %min3A_104, %mul3A_105 : i32
      "tpu.region"() ({
        %run_scoped3A = tpu.sem_alloc : memref<!tpu.dma_semaphore, #tpu.memory_space<semaphore_mem>>
        %dma_start3A_315 = tpu.memref_slice %arg2[%mul3A_106] : memref<320000xi32, #tpu.memory_space<hbm>> -> memref<640xi32, #tpu.memory_space<hbm>>
        %dma_start3A_316 = tpu.memref_slice %arg2[%mul3A_106] : memref<320000xi32, #tpu.memory_space<hbm>> -> memref<640xi32, #tpu.memory_space<hbm>>
        tpu.enqueue_dma source(%dma_start3A_316 : memref<640xi32, #tpu.memory_space<hbm>>) target(%arg6 : memref<640xi32, #tpu.memory_space<vmem>>) target_semaphore(%run_scoped3A : memref<!tpu.dma_semaphore, #tpu.memory_space<semaphore_mem>>)
        %dma_wait3A_317 = tpu.memref_slice %arg2[%mul3A_106] : memref<320000xi32, #tpu.memory_space<hbm>> -> memref<640xi32, #tpu.memory_space<hbm>>
        %dma_wait3A_318 = tpu.memref_slice %arg2[%mul3A_106] : memref<320000xi32, #tpu.memory_space<hbm>> -> memref<640xi32, #tpu.memory_space<hbm>>
        tpu.wait_dma2 semaphore(%run_scoped3A : memref<!tpu.dma_semaphore, #tpu.memory_space<semaphore_mem>>) src(%dma_wait3A_318 : memref<640xi32, #tpu.memory_space<hbm>>) dst(%arg6 : memref<640xi32, #tpu.memory_space<vmem>>)
        tpu.yield
      }) : () -> ()
      %ge3A = arith.constant 2 : i32
      %ge3A_107 = arith.cmpi sge, %add3A_99, %ge3A : i32
      %convert_element_type3A = arith.extui %ge3A_107 : i1 to i32
      %cond3A = arith.constant 0 : i32
      %cond3A_108 = arith.cmpi ne, %convert_element_type3A, %cond3A : i32
      scf.if %cond3A_108 {
        %dma_wait3A_315 = arith.constant 0 : i32
        %dma_wait3A_316 = tpu.memref_slice %arg4[%min3A_104, %dma_wait3A_315] : memref<10000x128xf32, #tpu.memory_space<hbm>> -> memref<20x128xf32, #tpu.memory_space<hbm>>
        %dma_wait3A_317 = arith.constant 0 : i32
        %dma_wait3A_318 = tpu.memref_slice %arg4[%min3A_104, %dma_wait3A_317] : memref<10000x128xf32, #tpu.memory_space<hbm>> -> memref<20x128xf32, #tpu.memory_space<hbm>>
        tpu.wait_dma2 semaphore(%arg14 : memref<!tpu.dma_semaphore, #tpu.memory_space<semaphore_mem>>) src(%arg10 : memref<20x128xf32, #tpu.memory_space<vmem>>) dst(%dma_wait3A_318 : memref<20x128xf32, #tpu.memory_space<hbm>>)
      } else {
      }
      %dma_start3A_109 = arith.constant 0 : i32
      %dma_start3A_110 = arith.constant 0 : i32
      %dma_start3A_111 = tpu.memref_slice %arg8[%dma_start3A_109, %dma_start3A_110] : memref<640x64xi32, #tpu.memory_space<vmem>> -> memref<128x64xi32, #tpu.memory_space<vmem>>
      %dma_start3A_112 = arith.constant 0 : i32
      %dma_start3A_113 = tpu.memref_slice %arg6[%dma_start3A_112] : memref<640xi32, #tpu.memory_space<vmem>> -> memref<128xi32, #tpu.memory_space<vmem>>
      %dma_start3A_114 = arith.constant 0 : i32
      %dma_start3A_115 = arith.constant 0 : i32
      %dma_start3A_116 = tpu.memref_slice %arg3[%dma_start3A_114, %dma_start3A_115] : memref<100000x64xi32, #tpu.memory_space<hbm>> -> memref<100000x64xi32, #tpu.memory_space<hbm>>
      tpu.enqueue_indirect_dma source(%dma_start3A_116 : memref<100000x64xi32, #tpu.memory_space<hbm>>) target(%dma_start3A_111 : memref<128x64xi32, #tpu.memory_space<vmem>>) offsets(%dma_start3A_113 : memref<128xi32, #tpu.memory_space<vmem>>) semaphore(%arg12 : memref<!tpu.dma_semaphore, #tpu.memory_space<semaphore_mem>>)
      %dma_start3A_117 = arith.constant 128 : i32
      %dma_start3A_118 = arith.constant 0 : i32
      %dma_start3A_119 = tpu.memref_slice %arg8[%dma_start3A_117, %dma_start3A_118] : memref<640x64xi32, #tpu.memory_space<vmem>> -> memref<128x64xi32, #tpu.memory_space<vmem>>
      %dma_start3A_120 = arith.constant 128 : i32
      %dma_start3A_121 = tpu.memref_slice %arg6[%dma_start3A_120] : memref<640xi32, #tpu.memory_space<vmem>> -> memref<128xi32, #tpu.memory_space<vmem>>
      %dma_start3A_122 = arith.constant 0 : i32
      %dma_start3A_123 = arith.constant 0 : i32
      %dma_start3A_124 = tpu.memref_slice %arg3[%dma_start3A_122, %dma_start3A_123] : memref<100000x64xi32, #tpu.memory_space<hbm>> -> memref<100000x64xi32, #tpu.memory_space<hbm>>
      tpu.enqueue_indirect_dma source(%dma_start3A_124 : memref<100000x64xi32, #tpu.memory_space<hbm>>) target(%dma_start3A_119 : memref<128x64xi32, #tpu.memory_space<vmem>>) offsets(%dma_start3A_121 : memref<128xi32, #tpu.memory_space<vmem>>) semaphore(%arg12 : memref<!tpu.dma_semaphore, #tpu.memory_space<semaphore_mem>>)
      %dma_start3A_125 = arith.constant 256 : i32
      %dma_start3A_126 = arith.constant 0 : i32
      %dma_start3A_127 = tpu.memref_slice %arg8[%dma_start3A_125, %dma_start3A_126] : memref<640x64xi32, #tpu.memory_space<vmem>> -> memref<128x64xi32, #tpu.memory_space<vmem>>
      %dma_start3A_128 = arith.constant 256 : i32
      %dma_start3A_129 = tpu.memref_slice %arg6[%dma_start3A_128] : memref<640xi32, #tpu.memory_space<vmem>> -> memref<128xi32, #tpu.memory_space<vmem>>
      %dma_start3A_130 = arith.constant 0 : i32
      %dma_start3A_131 = arith.constant 0 : i32
      %dma_start3A_132 = tpu.memref_slice %arg3[%dma_start3A_130, %dma_start3A_131] : memref<100000x64xi32, #tpu.memory_space<hbm>> -> memref<100000x64xi32, #tpu.memory_space<hbm>>
      tpu.enqueue_indirect_dma source(%dma_start3A_132 : memref<100000x64xi32, #tpu.memory_space<hbm>>) target(%dma_start3A_127 : memref<128x64xi32, #tpu.memory_space<vmem>>) offsets(%dma_start3A_129 : memref<128xi32, #tpu.memory_space<vmem>>) semaphore(%arg12 : memref<!tpu.dma_semaphore, #tpu.memory_space<semaphore_mem>>)
      %dma_start3A_133 = arith.constant 384 : i32
      %dma_start3A_134 = arith.constant 0 : i32
      %dma_start3A_135 = tpu.memref_slice %arg8[%dma_start3A_133, %dma_start3A_134] : memref<640x64xi32, #tpu.memory_space<vmem>> -> memref<128x64xi32, #tpu.memory_space<vmem>>
      %dma_start3A_136 = arith.constant 384 : i32
      %dma_start3A_137 = tpu.memref_slice %arg6[%dma_start3A_136] : memref<640xi32, #tpu.memory_space<vmem>> -> memref<128xi32, #tpu.memory_space<vmem>>
      %dma_start3A_138 = arith.constant 0 : i32
      %dma_start3A_139 = arith.constant 0 : i32
      %dma_start3A_140 = tpu.memref_slice %arg3[%dma_start3A_138, %dma_start3A_139] : memref<100000x64xi32, #tpu.memory_space<hbm>> -> memref<100000x64xi32, #tpu.memory_space<hbm>>
      tpu.enqueue_indirect_dma source(%dma_start3A_140 : memref<100000x64xi32, #tpu.memory_space<hbm>>) target(%dma_start3A_135 : memref<128x64xi32, #tpu.memory_space<vmem>>) offsets(%dma_start3A_137 : memref<128xi32, #tpu.memory_space<vmem>>) semaphore(%arg12 : memref<!tpu.dma_semaphore, #tpu.memory_space<semaphore_mem>>)
      %dma_start3A_141 = arith.constant 512 : i32
      %dma_start3A_142 = arith.constant 0 : i32
      %dma_start3A_143 = tpu.memref_slice %arg8[%dma_start3A_141, %dma_start3A_142] : memref<640x64xi32, #tpu.memory_space<vmem>> -> memref<128x64xi32, #tpu.memory_space<vmem>>
      %dma_start3A_144 = arith.constant 512 : i32
      %dma_start3A_145 = tpu.memref_slice %arg6[%dma_start3A_144] : memref<640xi32, #tpu.memory_space<vmem>> -> memref<128xi32, #tpu.memory_space<vmem>>
      %dma_start3A_146 = arith.constant 0 : i32
      %dma_start3A_147 = arith.constant 0 : i32
      %dma_start3A_148 = tpu.memref_slice %arg3[%dma_start3A_146, %dma_start3A_147] : memref<100000x64xi32, #tpu.memory_space<hbm>> -> memref<100000x64xi32, #tpu.memory_space<hbm>>
      tpu.enqueue_indirect_dma source(%dma_start3A_148 : memref<100000x64xi32, #tpu.memory_space<hbm>>) target(%dma_start3A_143 : memref<128x64xi32, #tpu.memory_space<vmem>>) offsets(%dma_start3A_145 : memref<128xi32, #tpu.memory_space<vmem>>) semaphore(%arg12 : memref<!tpu.dma_semaphore, #tpu.memory_space<semaphore_mem>>)
      %dma_wait3A_149 = arith.constant 0 : i32
      %dma_wait3A_150 = arith.constant 0 : i32
      %dma_wait3A_151 = tpu.memref_slice %arg7[%dma_wait3A_149, %dma_wait3A_150] : memref<640x64xi32, #tpu.memory_space<vmem>> -> memref<128x64xi32, #tpu.memory_space<vmem>>
      %dma_wait3A_152 = arith.constant 0 : i32
      %dma_wait3A_153 = tpu.memref_slice %arg5[%dma_wait3A_152] : memref<640xi32, #tpu.memory_space<vmem>> -> memref<128xi32, #tpu.memory_space<vmem>>
      %dma_wait3A_154 = arith.constant 0 : i32
      %dma_wait3A_155 = arith.constant 0 : i32
      %dma_wait3A_156 = tpu.memref_slice %arg3[%dma_wait3A_154, %dma_wait3A_155] : memref<100000x64xi32, #tpu.memory_space<hbm>> -> memref<100000x64xi32, #tpu.memory_space<hbm>>
      tpu.wait_indirect_dma semaphore(%arg11 : memref<!tpu.dma_semaphore, #tpu.memory_space<semaphore_mem>>) src(%dma_wait3A_156 : memref<100000x64xi32, #tpu.memory_space<hbm>>) dst(%dma_wait3A_151 : memref<128x64xi32, #tpu.memory_space<vmem>>)
      %dma_wait3A_157 = arith.constant 128 : i32
      %dma_wait3A_158 = arith.constant 0 : i32
      %dma_wait3A_159 = tpu.memref_slice %arg7[%dma_wait3A_157, %dma_wait3A_158] : memref<640x64xi32, #tpu.memory_space<vmem>> -> memref<128x64xi32, #tpu.memory_space<vmem>>
      %dma_wait3A_160 = arith.constant 128 : i32
      %dma_wait3A_161 = tpu.memref_slice %arg5[%dma_wait3A_160] : memref<640xi32, #tpu.memory_space<vmem>> -> memref<128xi32, #tpu.memory_space<vmem>>
      %dma_wait3A_162 = arith.constant 0 : i32
      %dma_wait3A_163 = arith.constant 0 : i32
      %dma_wait3A_164 = tpu.memref_slice %arg3[%dma_wait3A_162, %dma_wait3A_163] : memref<100000x64xi32, #tpu.memory_space<hbm>> -> memref<100000x64xi32, #tpu.memory_space<hbm>>
      tpu.wait_indirect_dma semaphore(%arg11 : memref<!tpu.dma_semaphore, #tpu.memory_space<semaphore_mem>>) src(%dma_wait3A_164 : memref<100000x64xi32, #tpu.memory_space<hbm>>) dst(%dma_wait3A_159 : memref<128x64xi32, #tpu.memory_space<vmem>>)
      %dma_wait3A_165 = arith.constant 256 : i32
      %dma_wait3A_166 = arith.constant 0 : i32
      %dma_wait3A_167 = tpu.memref_slice %arg7[%dma_wait3A_165, %dma_wait3A_166] : memref<640x64xi32, #tpu.memory_space<vmem>> -> memref<128x64xi32, #tpu.memory_space<vmem>>
      %dma_wait3A_168 = arith.constant 256 : i32
      %dma_wait3A_169 = tpu.memref_slice %arg5[%dma_wait3A_168] : memref<640xi32, #tpu.memory_space<vmem>> -> memref<128xi32, #tpu.memory_space<vmem>>
      %dma_wait3A_170 = arith.constant 0 : i32
      %dma_wait3A_171 = arith.constant 0 : i32
      %dma_wait3A_172 = tpu.memref_slice %arg3[%dma_wait3A_170, %dma_wait3A_171] : memref<100000x64xi32, #tpu.memory_space<hbm>> -> memref<100000x64xi32, #tpu.memory_space<hbm>>
      tpu.wait_indirect_dma semaphore(%arg11 : memref<!tpu.dma_semaphore, #tpu.memory_space<semaphore_mem>>) src(%dma_wait3A_172 : memref<100000x64xi32, #tpu.memory_space<hbm>>) dst(%dma_wait3A_167 : memref<128x64xi32, #tpu.memory_space<vmem>>)
      %dma_wait3A_173 = arith.constant 384 : i32
      %dma_wait3A_174 = arith.constant 0 : i32
      %dma_wait3A_175 = tpu.memref_slice %arg7[%dma_wait3A_173, %dma_wait3A_174] : memref<640x64xi32, #tpu.memory_space<vmem>> -> memref<128x64xi32, #tpu.memory_space<vmem>>
      %dma_wait3A_176 = arith.constant 384 : i32
      %dma_wait3A_177 = tpu.memref_slice %arg5[%dma_wait3A_176] : memref<640xi32, #tpu.memory_space<vmem>> -> memref<128xi32, #tpu.memory_space<vmem>>
      %dma_wait3A_178 = arith.constant 0 : i32
      %dma_wait3A_179 = arith.constant 0 : i32
      %dma_wait3A_180 = tpu.memref_slice %arg3[%dma_wait3A_178, %dma_wait3A_179] : memref<100000x64xi32, #tpu.memory_space<hbm>> -> memref<100000x64xi32, #tpu.memory_space<hbm>>
      tpu.wait_indirect_dma semaphore(%arg11 : memref<!tpu.dma_semaphore, #tpu.memory_space<semaphore_mem>>) src(%dma_wait3A_180 : memref<100000x64xi32, #tpu.memory_space<hbm>>) dst(%dma_wait3A_175 : memref<128x64xi32, #tpu.memory_space<vmem>>)
      %dma_wait3A_181 = arith.constant 512 : i32
      %dma_wait3A_182 = arith.constant 0 : i32
      %dma_wait3A_183 = tpu.memref_slice %arg7[%dma_wait3A_181, %dma_wait3A_182] : memref<640x64xi32, #tpu.memory_space<vmem>> -> memref<128x64xi32, #tpu.memory_space<vmem>>
      %dma_wait3A_184 = arith.constant 512 : i32
      %dma_wait3A_185 = tpu.memref_slice %arg5[%dma_wait3A_184] : memref<640xi32, #tpu.memory_space<vmem>> -> memref<128xi32, #tpu.memory_space<vmem>>
      %dma_wait3A_186 = arith.constant 0 : i32
      %dma_wait3A_187 = arith.constant 0 : i32
      %dma_wait3A_188 = tpu.memref_slice %arg3[%dma_wait3A_186, %dma_wait3A_187] : memref<100000x64xi32, #tpu.memory_space<hbm>> -> memref<100000x64xi32, #tpu.memory_space<hbm>>
      tpu.wait_indirect_dma semaphore(%arg11 : memref<!tpu.dma_semaphore, #tpu.memory_space<semaphore_mem>>) src(%dma_wait3A_188 : memref<100000x64xi32, #tpu.memory_space<hbm>>) dst(%dma_wait3A_183 : memref<128x64xi32, #tpu.memory_space<vmem>>)
      %mul3A_189 = arith.constant 20 : i32
      %mul3A_190 = arith.muli %mul3A_97, %mul3A_189 : i32
      %add3A_191 = arith.addi %mul3A_2, %mul3A_190 : i32
      %min3A_192 = arith.constant 9980 : i32
      %min3A_193 = arith.minsi %add3A_191, %min3A_192 : i32
      %scan3A_194 = arith.constant 0 : i32
      %scan3A_195 = arith.constant 0 : i32
      %scan3A_196 = arith.constant 20 : i32
      %scan3A_197 = arith.addi %scan3A_195, %scan3A_196 : i32
      %scan3A_198 = arith.constant 1 : i32
      scf.for %scan3A_315 = %scan3A_195 to %scan3A_197 step %scan3A_198  : i32 {
        %mul3A_316 = arith.constant 32 : i32
        %mul3A_317 = arith.muli %scan3A_315, %mul3A_316 : i32
        %broadcast_in_dim3A = arith.constant 0.000000e+00 : f32
        %broadcast_in_dim3A_318 = vector.broadcast %broadcast_in_dim3A : f32 to vector<16xf32>
        %scan3A_319 = arith.constant -65536 : i32
        %scan3A_320 = arith.constant 0 : i32
        %scan3A_321 = arith.constant 8 : i32
        %scan3A_322 = arith.addi %scan3A_320, %scan3A_321 : i32
        %scan3A_323 = arith.constant 1 : i32
        %scan3A_324:8 = scf.for %scan3A_389 = %scan3A_320 to %scan3A_322 step %scan3A_323 iter_args(%scan3A_390 = %broadcast_in_dim3A_318, %scan3A_391 = %broadcast_in_dim3A_318, %scan3A_392 = %broadcast_in_dim3A_318, %scan3A_393 = %broadcast_in_dim3A_318, %scan3A_394 = %broadcast_in_dim3A_318, %scan3A_395 = %broadcast_in_dim3A_318, %scan3A_396 = %broadcast_in_dim3A_318, %scan3A_397 = %broadcast_in_dim3A_318) -> (vector<16xf32>, vector<16xf32>, vector<16xf32>, vector<16xf32>, vector<16xf32>, vector<16xf32>, vector<16xf32>, vector<16xf32>)  : i32 {
          %mul3A_398 = arith.constant 4 : i32
          %mul3A_399 = arith.muli %scan3A_389, %mul3A_398 : i32
          %add3A_400 = arith.addi %mul3A_317, %mul3A_399 : i32
          %add3A_401 = arith.constant 0 : i32
          %add3A_402 = arith.addi %add3A_400, %add3A_401 : i32
          %get3A = arith.index_cast %add3A_402 : i32 to index
          %get3A_403 = arith.constant 0 : index
          %get3A_404 = tpu.vector_load %arg7[%get3A, %get3A_403] {strides = array<i32>} : memref<640x64xi32, #tpu.memory_space<vmem>>, vector<1x16xi32>,
          %get3A_405 = vector.shape_cast %get3A_404 : vector<1x16xi32> to vector<16xi32>
          %shift_left3A = arith.constant 16 : i32
          %shift_left3A_406 = vector.broadcast %shift_left3A : i32 to vector<16xi32>
          %shift_left3A_407 = arith.shli %get3A_405, %shift_left3A_406 : vector<16xi32>
          %bitcast_convert_type3A = tpu.bitcast %shift_left3A_407 : vector<16xi32> -> vector<16xf32>
          %add3A_408 = arith.addf %scan3A_390, %bitcast_convert_type3A : vector<16xf32>
          %and3A = vector.broadcast %scan3A_319 : i32 to vector<16xi32>
          %and3A_409 = arith.andi %get3A_405, %and3A : vector<16xi32>
          %bitcast_convert_type3A_410 = tpu.bitcast %and3A_409 : vector<16xi32> -> vector<16xf32>
          %add3A_411 = arith.addf %scan3A_394, %bitcast_convert_type3A_410 : vector<16xf32>
          %get3A_412 = arith.index_cast %add3A_402 : i32 to index
          %get3A_413 = arith.constant 16 : index
          %get3A_414 = tpu.vector_load %arg7[%get3A_412, %get3A_413] {strides = array<i32>} : memref<640x64xi32, #tpu.memory_space<vmem>>, vector<1x16xi32>,
          %get3A_415 = vector.shape_cast %get3A_414 : vector<1x16xi32> to vector<16xi32>
          %shift_left3A_416 = arith.constant 16 : i32
          %shift_left3A_417 = vector.broadcast %shift_left3A_416 : i32 to vector<16xi32>
          %shift_left3A_418 = arith.shli %get3A_415, %shift_left3A_417 : vector<16xi32>
          %bitcast_convert_type3A_419 = tpu.bitcast %shift_left3A_418 : vector<16xi32> -> vector<16xf32>
          %add3A_420 = arith.addf %scan3A_391, %bitcast_convert_type3A_419 : vector<16xf32>
          %and3A_421 = vector.broadcast %scan3A_319 : i32 to vector<16xi32>
          %and3A_422 = arith.andi %get3A_415, %and3A_421 : vector<16xi32>
          %bitcast_convert_type3A_423 = tpu.bitcast %and3A_422 : vector<16xi32> -> vector<16xf32>
          %add3A_424 = arith.addf %scan3A_395, %bitcast_convert_type3A_423 : vector<16xf32>
          %get3A_425 = arith.index_cast %add3A_402 : i32 to index
          %get3A_426 = arith.constant 32 : index
          %get3A_427 = tpu.vector_load %arg7[%get3A_425, %get3A_426] {strides = array<i32>} : memref<640x64xi32, #tpu.memory_space<vmem>>, vector<1x16xi32>,
          %get3A_428 = vector.shape_cast %get3A_427 : vector<1x16xi32> to vector<16xi32>
          %shift_left3A_429 = arith.constant 16 : i32
          %shift_left3A_430 = vector.broadcast %shift_left3A_429 : i32 to vector<16xi32>
          %shift_left3A_431 = arith.shli %get3A_428, %shift_left3A_430 : vector<16xi32>
          %bitcast_convert_type3A_432 = tpu.bitcast %shift_left3A_431 : vector<16xi32> -> vector<16xf32>
          %add3A_433 = arith.addf %scan3A_392, %bitcast_convert_type3A_432 : vector<16xf32>
          %and3A_434 = vector.broadcast %scan3A_319 : i32 to vector<16xi32>
          %and3A_435 = arith.andi %get3A_428, %and3A_434 : vector<16xi32>
          %bitcast_convert_type3A_436 = tpu.bitcast %and3A_435 : vector<16xi32> -> vector<16xf32>
          %add3A_437 = arith.addf %scan3A_396, %bitcast_convert_type3A_436 : vector<16xf32>
          %get3A_438 = arith.index_cast %add3A_402 : i32 to index
          %get3A_439 = arith.constant 48 : index
          %get3A_440 = tpu.vector_load %arg7[%get3A_438, %get3A_439] {strides = array<i32>} : memref<640x64xi32, #tpu.memory_space<vmem>>, vector<1x16xi32>,
          %get3A_441 = vector.shape_cast %get3A_440 : vector<1x16xi32> to vector<16xi32>
          %shift_left3A_442 = arith.constant 16 : i32
          %shift_left3A_443 = vector.broadcast %shift_left3A_442 : i32 to vector<16xi32>
          %shift_left3A_444 = arith.shli %get3A_441, %shift_left3A_443 : vector<16xi32>
          %bitcast_convert_type3A_445 = tpu.bitcast %shift_left3A_444 : vector<16xi32> -> vector<16xf32>
          %add3A_446 = arith.addf %scan3A_393, %bitcast_convert_type3A_445 : vector<16xf32>
          %and3A_447 = vector.broadcast %scan3A_319 : i32 to vector<16xi32>
          %and3A_448 = arith.andi %get3A_441, %and3A_447 : vector<16xi32>
          %bitcast_convert_type3A_449 = tpu.bitcast %and3A_448 : vector<16xi32> -> vector<16xf32>
          %add3A_450 = arith.addf %scan3A_397, %bitcast_convert_type3A_449 : vector<16xf32>
          %mul3A_451 = arith.constant 4 : i32
          %mul3A_452 = arith.muli %scan3A_389, %mul3A_451 : i32
          %add3A_453 = arith.addi %mul3A_317, %mul3A_452 : i32
          %add3A_454 = arith.constant 1 : i32
          %add3A_455 = arith.addi %add3A_453, %add3A_454 : i32
          %get3A_456 = arith.index_cast %add3A_455 : i32 to index
          %get3A_457 = arith.constant 0 : index
          %get3A_458 = tpu.vector_load %arg7[%get3A_456, %get3A_457] {strides = array<i32>} : memref<640x64xi32, #tpu.memory_space<vmem>>, vector<1x16xi32>,
          %get3A_459 = vector.shape_cast %get3A_458 : vector<1x16xi32> to vector<16xi32>
          %shift_left3A_460 = arith.constant 16 : i32
          %shift_left3A_461 = vector.broadcast %shift_left3A_460 : i32 to vector<16xi32>
          %shift_left3A_462 = arith.shli %get3A_459, %shift_left3A_461 : vector<16xi32>
          %bitcast_convert_type3A_463 = tpu.bitcast %shift_left3A_462 : vector<16xi32> -> vector<16xf32>
          %add3A_464 = arith.addf %add3A_408, %bitcast_convert_type3A_463 : vector<16xf32>
          %and3A_465 = vector.broadcast %scan3A_319 : i32 to vector<16xi32>
          %and3A_466 = arith.andi %get3A_459, %and3A_465 : vector<16xi32>
          %bitcast_convert_type3A_467 = tpu.bitcast %and3A_466 : vector<16xi32> -> vector<16xf32>
          %add3A_468 = arith.addf %add3A_411, %bitcast_convert_type3A_467 : vector<16xf32>
          %get3A_469 = arith.index_cast %add3A_455 : i32 to index
          %get3A_470 = arith.constant 16 : index
          %get3A_471 = tpu.vector_load %arg7[%get3A_469, %get3A_470] {strides = array<i32>} : memref<640x64xi32, #tpu.memory_space<vmem>>, vector<1x16xi32>,
          %get3A_472 = vector.shape_cast %get3A_471 : vector<1x16xi32> to vector<16xi32>
          %shift_left3A_473 = arith.constant 16 : i32
          %shift_left3A_474 = vector.broadcast %shift_left3A_473 : i32 to vector<16xi32>
          %shift_left3A_475 = arith.shli %get3A_472, %shift_left3A_474 : vector<16xi32>
          %bitcast_convert_type3A_476 = tpu.bitcast %shift_left3A_475 : vector<16xi32> -> vector<16xf32>
          %add3A_477 = arith.addf %add3A_420, %bitcast_convert_type3A_476 : vector<16xf32>
          %and3A_478 = vector.broadcast %scan3A_319 : i32 to vector<16xi32>
          %and3A_479 = arith.andi %get3A_472, %and3A_478 : vector<16xi32>
          %bitcast_convert_type3A_480 = tpu.bitcast %and3A_479 : vector<16xi32> -> vector<16xf32>
          %add3A_481 = arith.addf %add3A_424, %bitcast_convert_type3A_480 : vector<16xf32>
          %get3A_482 = arith.index_cast %add3A_455 : i32 to index
          %get3A_483 = arith.constant 32 : index
          %get3A_484 = tpu.vector_load %arg7[%get3A_482, %get3A_483] {strides = array<i32>} : memref<640x64xi32, #tpu.memory_space<vmem>>, vector<1x16xi32>,
          %get3A_485 = vector.shape_cast %get3A_484 : vector<1x16xi32> to vector<16xi32>
          %shift_left3A_486 = arith.constant 16 : i32
          %shift_left3A_487 = vector.broadcast %shift_left3A_486 : i32 to vector<16xi32>
          %shift_left3A_488 = arith.shli %get3A_485, %shift_left3A_487 : vector<16xi32>
          %bitcast_convert_type3A_489 = tpu.bitcast %shift_left3A_488 : vector<16xi32> -> vector<16xf32>
          %add3A_490 = arith.addf %add3A_433, %bitcast_convert_type3A_489 : vector<16xf32>
          %and3A_491 = vector.broadcast %scan3A_319 : i32 to vector<16xi32>
          %and3A_492 = arith.andi %get3A_485, %and3A_491 : vector<16xi32>
          %bitcast_convert_type3A_493 = tpu.bitcast %and3A_492 : vector<16xi32> -> vector<16xf32>
          %add3A_494 = arith.addf %add3A_437, %bitcast_convert_type3A_493 : vector<16xf32>
          %get3A_495 = arith.index_cast %add3A_455 : i32 to index
          %get3A_496 = arith.constant 48 : index
          %get3A_497 = tpu.vector_load %arg7[%get3A_495, %get3A_496] {strides = array<i32>} : memref<640x64xi32, #tpu.memory_space<vmem>>, vector<1x16xi32>,
          %get3A_498 = vector.shape_cast %get3A_497 : vector<1x16xi32> to vector<16xi32>
          %shift_left3A_499 = arith.constant 16 : i32
          %shift_left3A_500 = vector.broadcast %shift_left3A_499 : i32 to vector<16xi32>
          %shift_left3A_501 = arith.shli %get3A_498, %shift_left3A_500 : vector<16xi32>
          %bitcast_convert_type3A_502 = tpu.bitcast %shift_left3A_501 : vector<16xi32> -> vector<16xf32>
          %add3A_503 = arith.addf %add3A_446, %bitcast_convert_type3A_502 : vector<16xf32>
          %and3A_504 = vector.broadcast %scan3A_319 : i32 to vector<16xi32>
          %and3A_505 = arith.andi %get3A_498, %and3A_504 : vector<16xi32>
          %bitcast_convert_type3A_506 = tpu.bitcast %and3A_505 : vector<16xi32> -> vector<16xf32>
          %add3A_507 = arith.addf %add3A_450, %bitcast_convert_type3A_506 : vector<16xf32>
          %mul3A_508 = arith.constant 4 : i32
          %mul3A_509 = arith.muli %scan3A_389, %mul3A_508 : i32
          %add3A_510 = arith.addi %mul3A_317, %mul3A_509 : i32
          %add3A_511 = arith.constant 2 : i32
          %add3A_512 = arith.addi %add3A_510, %add3A_511 : i32
          %get3A_513 = arith.index_cast %add3A_512 : i32 to index
          %get3A_514 = arith.constant 0 : index
          %get3A_515 = tpu.vector_load %arg7[%get3A_513, %get3A_514] {strides = array<i32>} : memref<640x64xi32, #tpu.memory_space<vmem>>, vector<1x16xi32>,
          %get3A_516 = vector.shape_cast %get3A_515 : vector<1x16xi32> to vector<16xi32>
          %shift_left3A_517 = arith.constant 16 : i32
          %shift_left3A_518 = vector.broadcast %shift_left3A_517 : i32 to vector<16xi32>
          %shift_left3A_519 = arith.shli %get3A_516, %shift_left3A_518 : vector<16xi32>
          %bitcast_convert_type3A_520 = tpu.bitcast %shift_left3A_519 : vector<16xi32> -> vector<16xf32>
          %add3A_521 = arith.addf %add3A_464, %bitcast_convert_type3A_520 : vector<16xf32>
          %and3A_522 = vector.broadcast %scan3A_319 : i32 to vector<16xi32>
          %and3A_523 = arith.andi %get3A_516, %and3A_522 : vector<16xi32>
          %bitcast_convert_type3A_524 = tpu.bitcast %and3A_523 : vector<16xi32> -> vector<16xf32>
          %add3A_525 = arith.addf %add3A_468, %bitcast_convert_type3A_524 : vector<16xf32>
          %get3A_526 = arith.index_cast %add3A_512 : i32 to index
          %get3A_527 = arith.constant 16 : index
          %get3A_528 = tpu.vector_load %arg7[%get3A_526, %get3A_527] {strides = array<i32>} : memref<640x64xi32, #tpu.memory_space<vmem>>, vector<1x16xi32>,
          %get3A_529 = vector.shape_cast %get3A_528 : vector<1x16xi32> to vector<16xi32>
          %shift_left3A_530 = arith.constant 16 : i32
          %shift_left3A_531 = vector.broadcast %shift_left3A_530 : i32 to vector<16xi32>
          %shift_left3A_532 = arith.shli %get3A_529, %shift_left3A_531 : vector<16xi32>
          %bitcast_convert_type3A_533 = tpu.bitcast %shift_left3A_532 : vector<16xi32> -> vector<16xf32>
          %add3A_534 = arith.addf %add3A_477, %bitcast_convert_type3A_533 : vector<16xf32>
          %and3A_535 = vector.broadcast %scan3A_319 : i32 to vector<16xi32>
          %and3A_536 = arith.andi %get3A_529, %and3A_535 : vector<16xi32>
          %bitcast_convert_type3A_537 = tpu.bitcast %and3A_536 : vector<16xi32> -> vector<16xf32>
          %add3A_538 = arith.addf %add3A_481, %bitcast_convert_type3A_537 : vector<16xf32>
          %get3A_539 = arith.index_cast %add3A_512 : i32 to index
          %get3A_540 = arith.constant 32 : index
          %get3A_541 = tpu.vector_load %arg7[%get3A_539, %get3A_540] {strides = array<i32>} : memref<640x64xi32, #tpu.memory_space<vmem>>, vector<1x16xi32>,
          %get3A_542 = vector.shape_cast %get3A_541 : vector<1x16xi32> to vector<16xi32>
          %shift_left3A_543 = arith.constant 16 : i32
          %shift_left3A_544 = vector.broadcast %shift_left3A_543 : i32 to vector<16xi32>
          %shift_left3A_545 = arith.shli %get3A_542, %shift_left3A_544 : vector<16xi32>
          %bitcast_convert_type3A_546 = tpu.bitcast %shift_left3A_545 : vector<16xi32> -> vector<16xf32>
          %add3A_547 = arith.addf %add3A_490, %bitcast_convert_type3A_546 : vector<16xf32>
          %and3A_548 = vector.broadcast %scan3A_319 : i32 to vector<16xi32>
          %and3A_549 = arith.andi %get3A_542, %and3A_548 : vector<16xi32>
          %bitcast_convert_type3A_550 = tpu.bitcast %and3A_549 : vector<16xi32> -> vector<16xf32>
          %add3A_551 = arith.addf %add3A_494, %bitcast_convert_type3A_550 : vector<16xf32>
          %get3A_552 = arith.index_cast %add3A_512 : i32 to index
          %get3A_553 = arith.constant 48 : index
          %get3A_554 = tpu.vector_load %arg7[%get3A_552, %get3A_553] {strides = array<i32>} : memref<640x64xi32, #tpu.memory_space<vmem>>, vector<1x16xi32>,
          %get3A_555 = vector.shape_cast %get3A_554 : vector<1x16xi32> to vector<16xi32>
          %shift_left3A_556 = arith.constant 16 : i32
          %shift_left3A_557 = vector.broadcast %shift_left3A_556 : i32 to vector<16xi32>
          %shift_left3A_558 = arith.shli %get3A_555, %shift_left3A_557 : vector<16xi32>
          %bitcast_convert_type3A_559 = tpu.bitcast %shift_left3A_558 : vector<16xi32> -> vector<16xf32>
          %add3A_560 = arith.addf %add3A_503, %bitcast_convert_type3A_559 : vector<16xf32>
          %and3A_561 = vector.broadcast %scan3A_319 : i32 to vector<16xi32>
          %and3A_562 = arith.andi %get3A_555, %and3A_561 : vector<16xi32>
          %bitcast_convert_type3A_563 = tpu.bitcast %and3A_562 : vector<16xi32> -> vector<16xf32>
          %add3A_564 = arith.addf %add3A_507, %bitcast_convert_type3A_563 : vector<16xf32>
          %mul3A_565 = arith.constant 4 : i32
          %mul3A_566 = arith.muli %scan3A_389, %mul3A_565 : i32
          %add3A_567 = arith.addi %mul3A_317, %mul3A_566 : i32
          %add3A_568 = arith.constant 3 : i32
          %add3A_569 = arith.addi %add3A_567, %add3A_568 : i32
          %get3A_570 = arith.index_cast %add3A_569 : i32 to index
          %get3A_571 = arith.constant 0 : index
          %get3A_572 = tpu.vector_load %arg7[%get3A_570, %get3A_571] {strides = array<i32>} : memref<640x64xi32, #tpu.memory_space<vmem>>, vector<1x16xi32>,
          %get3A_573 = vector.shape_cast %get3A_572 : vector<1x16xi32> to vector<16xi32>
          %shift_left3A_574 = arith.constant 16 : i32
          %shift_left3A_575 = vector.broadcast %shift_left3A_574 : i32 to vector<16xi32>
          %shift_left3A_576 = arith.shli %get3A_573, %shift_left3A_575 : vector<16xi32>
          %bitcast_convert_type3A_577 = tpu.bitcast %shift_left3A_576 : vector<16xi32> -> vector<16xf32>
          %add3A_578 = arith.addf %add3A_521, %bitcast_convert_type3A_577 : vector<16xf32>
          %and3A_579 = vector.broadcast %scan3A_319 : i32 to vector<16xi32>
          %and3A_580 = arith.andi %get3A_573, %and3A_579 : vector<16xi32>
          %bitcast_convert_type3A_581 = tpu.bitcast %and3A_580 : vector<16xi32> -> vector<16xf32>
          %add3A_582 = arith.addf %add3A_525, %bitcast_convert_type3A_581 : vector<16xf32>
          %get3A_583 = arith.index_cast %add3A_569 : i32 to index
          %get3A_584 = arith.constant 16 : index
          %get3A_585 = tpu.vector_load %arg7[%get3A_583, %get3A_584] {strides = array<i32>} : memref<640x64xi32, #tpu.memory_space<vmem>>, vector<1x16xi32>,
          %get3A_586 = vector.shape_cast %get3A_585 : vector<1x16xi32> to vector<16xi32>
          %shift_left3A_587 = arith.constant 16 : i32
          %shift_left3A_588 = vector.broadcast %shift_left3A_587 : i32 to vector<16xi32>
          %shift_left3A_589 = arith.shli %get3A_586, %shift_left3A_588 : vector<16xi32>
          %bitcast_convert_type3A_590 = tpu.bitcast %shift_left3A_589 : vector<16xi32> -> vector<16xf32>
          %add3A_591 = arith.addf %add3A_534, %bitcast_convert_type3A_590 : vector<16xf32>
          %and3A_592 = vector.broadcast %scan3A_319 : i32 to vector<16xi32>
          %and3A_593 = arith.andi %get3A_586, %and3A_592 : vector<16xi32>
          %bitcast_convert_type3A_594 = tpu.bitcast %and3A_593 : vector<16xi32> -> vector<16xf32>
          %add3A_595 = arith.addf %add3A_538, %bitcast_convert_type3A_594 : vector<16xf32>
          %get3A_596 = arith.index_cast %add3A_569 : i32 to index
          %get3A_597 = arith.constant 32 : index
          %get3A_598 = tpu.vector_load %arg7[%get3A_596, %get3A_597] {strides = array<i32>} : memref<640x64xi32, #tpu.memory_space<vmem>>, vector<1x16xi32>,
          %get3A_599 = vector.shape_cast %get3A_598 : vector<1x16xi32> to vector<16xi32>
          %shift_left3A_600 = arith.constant 16 : i32
          %shift_left3A_601 = vector.broadcast %shift_left3A_600 : i32 to vector<16xi32>
          %shift_left3A_602 = arith.shli %get3A_599, %shift_left3A_601 : vector<16xi32>
          %bitcast_convert_type3A_603 = tpu.bitcast %shift_left3A_602 : vector<16xi32> -> vector<16xf32>
          %add3A_604 = arith.addf %add3A_547, %bitcast_convert_type3A_603 : vector<16xf32>
          %and3A_605 = vector.broadcast %scan3A_319 : i32 to vector<16xi32>
          %and3A_606 = arith.andi %get3A_599, %and3A_605 : vector<16xi32>
          %bitcast_convert_type3A_607 = tpu.bitcast %and3A_606 : vector<16xi32> -> vector<16xf32>
          %add3A_608 = arith.addf %add3A_551, %bitcast_convert_type3A_607 : vector<16xf32>
          %get3A_609 = arith.index_cast %add3A_569 : i32 to index
          %get3A_610 = arith.constant 48 : index
          %get3A_611 = tpu.vector_load %arg7[%get3A_609, %get3A_610] {strides = array<i32>} : memref<640x64xi32, #tpu.memory_space<vmem>>, vector<1x16xi32>,
          %get3A_612 = vector.shape_cast %get3A_611 : vector<1x16xi32> to vector<16xi32>
          %shift_left3A_613 = arith.constant 16 : i32
          %shift_left3A_614 = vector.broadcast %shift_left3A_613 : i32 to vector<16xi32>
          %shift_left3A_615 = arith.shli %get3A_612, %shift_left3A_614 : vector<16xi32>
          %bitcast_convert_type3A_616 = tpu.bitcast %shift_left3A_615 : vector<16xi32> -> vector<16xf32>
          %add3A_617 = arith.addf %add3A_560, %bitcast_convert_type3A_616 : vector<16xf32>
          %and3A_618 = vector.broadcast %scan3A_319 : i32 to vector<16xi32>
          %and3A_619 = arith.andi %get3A_612, %and3A_618 : vector<16xi32>
          %bitcast_convert_type3A_620 = tpu.bitcast %and3A_619 : vector<16xi32> -> vector<16xf32>
          %add3A_621 = arith.addf %add3A_564, %bitcast_convert_type3A_620 : vector<16xf32>
          scf.yield %add3A_578, %add3A_591, %add3A_604, %add3A_617, %add3A_582, %add3A_595, %add3A_608, %add3A_621 : vector<16xf32>, vector<16xf32>, vector<16xf32>, vector<16xf32>, vector<16xf32>, vector<16xf32>, vector<16xf32>, vector<16xf32>
        }
        %scan3A_325 = arith.constant 8 : i32
        %mul3A_326 = arith.constant 3.125000e-02 : f32
        %mul3A_327 = vector.broadcast %mul3A_326 : f32 to vector<16xf32>
        %mul3A_328 = arith.mulf %scan3A_324#0, %mul3A_327 : vector<16xf32>
        %swap3A = arith.index_cast %scan3A_315 : i32 to index
        %swap3A_329 = arith.constant 0 : index
        %swap3A_330 = tpu.vector_load %arg9[%swap3A, %swap3A_329] {strides = array<i32>} : memref<20x128xf32, #tpu.memory_space<vmem>>, vector<1x16xf32>,
        %swap3A_331 = vector.shape_cast %swap3A_330 : vector<1x16xf32> to vector<16xf32>
        %swap3A_332 = vector.shape_cast %mul3A_328 : vector<16xf32> to vector<1x16xf32>
        tpu.vector_store %arg9[%swap3A, %swap3A_329], %swap3A_332 {strides = array<i32>} : memref<20x128xf32, #tpu.memory_space<vmem>>, vector<1x16xf32>,
        %mul3A_333 = arith.constant 3.125000e-02 : f32
        %mul3A_334 = vector.broadcast %mul3A_333 : f32 to vector<16xf32>
        %mul3A_335 = arith.mulf %scan3A_324#4, %mul3A_334 : vector<16xf32>
        %swap3A_336 = arith.index_cast %scan3A_315 : i32 to index
        %swap3A_337 = arith.constant 64 : index
        %swap3A_338 = tpu.vector_load %arg9[%swap3A_336, %swap3A_337] {strides = array<i32>} : memref<20x128xf32, #tpu.memory_space<vmem>>, vector<1x16xf32>,
        %swap3A_339 = vector.shape_cast %swap3A_338 : vector<1x16xf32> to vector<16xf32>
        %swap3A_340 = vector.shape_cast %mul3A_335 : vector<16xf32> to vector<1x16xf32>
        tpu.vector_store %arg9[%swap3A_336, %swap3A_337], %swap3A_340 {strides = array<i32>} : memref<20x128xf32, #tpu.memory_space<vmem>>, vector<1x16xf32>,
        %mul3A_341 = arith.constant 3.125000e-02 : f32
        %mul3A_342 = vector.broadcast %mul3A_341 : f32 to vector<16xf32>
        %mul3A_343 = arith.mulf %scan3A_324#1, %mul3A_342 : vector<16xf32>
        %swap3A_344 = arith.index_cast %scan3A_315 : i32 to index
        %swap3A_345 = arith.constant 16 : index
        %swap3A_346 = tpu.vector_load %arg9[%swap3A_344, %swap3A_345] {strides = array<i32>} : memref<20x128xf32, #tpu.memory_space<vmem>>, vector<1x16xf32>,
        %swap3A_347 = vector.shape_cast %swap3A_346 : vector<1x16xf32> to vector<16xf32>
        %swap3A_348 = vector.shape_cast %mul3A_343 : vector<16xf32> to vector<1x16xf32>
        tpu.vector_store %arg9[%swap3A_344, %swap3A_345], %swap3A_348 {strides = array<i32>} : memref<20x128xf32, #tpu.memory_space<vmem>>, vector<1x16xf32>,
        %mul3A_349 = arith.constant 3.125000e-02 : f32
        %mul3A_350 = vector.broadcast %mul3A_349 : f32 to vector<16xf32>
        %mul3A_351 = arith.mulf %scan3A_324#5, %mul3A_350 : vector<16xf32>
        %swap3A_352 = arith.index_cast %scan3A_315 : i32 to index
        %swap3A_353 = arith.constant 80 : index
        %swap3A_354 = tpu.vector_load %arg9[%swap3A_352, %swap3A_353] {strides = array<i32>} : memref<20x128xf32, #tpu.memory_space<vmem>>, vector<1x16xf32>,
        %swap3A_355 = vector.shape_cast %swap3A_354 : vector<1x16xf32> to vector<16xf32>
        %swap3A_356 = vector.shape_cast %mul3A_351 : vector<16xf32> to vector<1x16xf32>
        tpu.vector_store %arg9[%swap3A_352, %swap3A_353], %swap3A_356 {strides = array<i32>} : memref<20x128xf32, #tpu.memory_space<vmem>>, vector<1x16xf32>,
        %mul3A_357 = arith.constant 3.125000e-02 : f32
        %mul3A_358 = vector.broadcast %mul3A_357 : f32 to vector<16xf32>
        %mul3A_359 = arith.mulf %scan3A_324#2, %mul3A_358 : vector<16xf32>
        %swap3A_360 = arith.index_cast %scan3A_315 : i32 to index
        %swap3A_361 = arith.constant 32 : index
        %swap3A_362 = tpu.vector_load %arg9[%swap3A_360, %swap3A_361] {strides = array<i32>} : memref<20x128xf32, #tpu.memory_space<vmem>>, vector<1x16xf32>,
        %swap3A_363 = vector.shape_cast %swap3A_362 : vector<1x16xf32> to vector<16xf32>
        %swap3A_364 = vector.shape_cast %mul3A_359 : vector<16xf32> to vector<1x16xf32>
        tpu.vector_store %arg9[%swap3A_360, %swap3A_361], %swap3A_364 {strides = array<i32>} : memref<20x128xf32, #tpu.memory_space<vmem>>, vector<1x16xf32>,
        %mul3A_365 = arith.constant 3.125000e-02 : f32
        %mul3A_366 = vector.broadcast %mul3A_365 : f32 to vector<16xf32>
        %mul3A_367 = arith.mulf %scan3A_324#6, %mul3A_366 : vector<16xf32>
        %swap3A_368 = arith.index_cast %scan3A_315 : i32 to index
        %swap3A_369 = arith.constant 96 : index
        %swap3A_370 = tpu.vector_load %arg9[%swap3A_368, %swap3A_369] {strides = array<i32>} : memref<20x128xf32, #tpu.memory_space<vmem>>, vector<1x16xf32>,
        %swap3A_371 = vector.shape_cast %swap3A_370 : vector<1x16xf32> to vector<16xf32>
        %swap3A_372 = vector.shape_cast %mul3A_367 : vector<16xf32> to vector<1x16xf32>
        tpu.vector_store %arg9[%swap3A_368, %swap3A_369], %swap3A_372 {strides = array<i32>} : memref<20x128xf32, #tpu.memory_space<vmem>>, vector<1x16xf32>,
        %mul3A_373 = arith.constant 3.125000e-02 : f32
        %mul3A_374 = vector.broadcast %mul3A_373 : f32 to vector<16xf32>
        %mul3A_375 = arith.mulf %scan3A_324#3, %mul3A_374 : vector<16xf32>
        %swap3A_376 = arith.index_cast %scan3A_315 : i32 to index
        %swap3A_377 = arith.constant 48 : index
        %swap3A_378 = tpu.vector_load %arg9[%swap3A_376, %swap3A_377] {strides = array<i32>} : memref<20x128xf32, #tpu.memory_space<vmem>>, vector<1x16xf32>,
        %swap3A_379 = vector.shape_cast %swap3A_378 : vector<1x16xf32> to vector<16xf32>
        %swap3A_380 = vector.shape_cast %mul3A_375 : vector<16xf32> to vector<1x16xf32>
        tpu.vector_store %arg9[%swap3A_376, %swap3A_377], %swap3A_380 {strides = array<i32>} : memref<20x128xf32, #tpu.memory_space<vmem>>, vector<1x16xf32>,
        %mul3A_381 = arith.constant 3.125000e-02 : f32
        %mul3A_382 = vector.broadcast %mul3A_381 : f32 to vector<16xf32>
        %mul3A_383 = arith.mulf %scan3A_324#7, %mul3A_382 : vector<16xf32>
        %swap3A_384 = arith.index_cast %scan3A_315 : i32 to index
        %swap3A_385 = arith.constant 112 : index
        %swap3A_386 = tpu.vector_load %arg9[%swap3A_384, %swap3A_385] {strides = array<i32>} : memref<20x128xf32, #tpu.memory_space<vmem>>, vector<1x16xf32>,
        %swap3A_387 = vector.shape_cast %swap3A_386 : vector<1x16xf32> to vector<16xf32>
        %swap3A_388 = vector.shape_cast %mul3A_383 : vector<16xf32> to vector<1x16xf32>
        tpu.vector_store %arg9[%swap3A_384, %swap3A_385], %swap3A_388 {strides = array<i32>} : memref<20x128xf32, #tpu.memory_space<vmem>>, vector<1x16xf32>,
      }
      %scan3A_199 = arith.constant 20 : i32
      %dma_start3A_200 = arith.constant 0 : i32
      %dma_start3A_201 = tpu.memref_slice %arg4[%min3A_193, %dma_start3A_200] : memref<10000x128xf32, #tpu.memory_space<hbm>> -> memref<20x128xf32, #tpu.memory_space<hbm>>
      %dma_start3A_202 = arith.constant 0 : i32
      %dma_start3A_203 = tpu.memref_slice %arg4[%min3A_193, %dma_start3A_202] : memref<10000x128xf32, #tpu.memory_space<hbm>> -> memref<20x128xf32, #tpu.memory_space<hbm>>
      tpu.enqueue_dma source(%arg9 : memref<20x128xf32, #tpu.memory_space<vmem>>) target(%dma_start3A_203 : memref<20x128xf32, #tpu.memory_space<hbm>>) target_semaphore(%arg13 : memref<!tpu.dma_semaphore, #tpu.memory_space<semaphore_mem>>)
      %add3A_204 = arith.constant 2 : i32
      %add3A_205 = arith.addi %mul3A_97, %add3A_204 : i32
      %mul3A_206 = arith.constant 20 : i32
      %mul3A_207 = arith.muli %add3A_205, %mul3A_206 : i32
      %add3A_208 = arith.addi %mul3A_2, %mul3A_207 : i32
      %min3A_209 = arith.constant 9980 : i32
      %min3A_210 = arith.minsi %add3A_208, %min3A_209 : i32
      %mul3A_211 = arith.constant 32 : i32
      %mul3A_212 = arith.muli %min3A_210, %mul3A_211 : i32
      "tpu.region"() ({
        %run_scoped3A = tpu.sem_alloc : memref<!tpu.dma_semaphore, #tpu.memory_space<semaphore_mem>>
        %dma_start3A_315 = tpu.memref_slice %arg2[%mul3A_212] : memref<320000xi32, #tpu.memory_space<hbm>> -> memref<640xi32, #tpu.memory_space<hbm>>
        %dma_start3A_316 = tpu.memref_slice %arg2[%mul3A_212] : memref<320000xi32, #tpu.memory_space<hbm>> -> memref<640xi32, #tpu.memory_space<hbm>>
        tpu.enqueue_dma source(%dma_start3A_316 : memref<640xi32, #tpu.memory_space<hbm>>) target(%arg5 : memref<640xi32, #tpu.memory_space<vmem>>) target_semaphore(%run_scoped3A : memref<!tpu.dma_semaphore, #tpu.memory_space<semaphore_mem>>)
        %dma_wait3A_317 = tpu.memref_slice %arg2[%mul3A_212] : memref<320000xi32, #tpu.memory_space<hbm>> -> memref<640xi32, #tpu.memory_space<hbm>>
        %dma_wait3A_318 = tpu.memref_slice %arg2[%mul3A_212] : memref<320000xi32, #tpu.memory_space<hbm>> -> memref<640xi32, #tpu.memory_space<hbm>>
        tpu.wait_dma2 semaphore(%run_scoped3A : memref<!tpu.dma_semaphore, #tpu.memory_space<semaphore_mem>>) src(%dma_wait3A_318 : memref<640xi32, #tpu.memory_space<hbm>>) dst(%arg5 : memref<640xi32, #tpu.memory_space<vmem>>)
        tpu.yield
      }) : () -> ()
      %ge3A_213 = arith.constant 2 : i32
      %ge3A_214 = arith.cmpi sge, %add3A_205, %ge3A_213 : i32
      %convert_element_type3A_215 = arith.extui %ge3A_214 : i1 to i32
      %cond3A_216 = arith.constant 0 : i32
      %cond3A_217 = arith.cmpi ne, %convert_element_type3A_215, %cond3A_216 : i32
      scf.if %cond3A_217 {
        %dma_wait3A_315 = arith.constant 0 : i32
        %dma_wait3A_316 = tpu.memref_slice %arg4[%min3A_210, %dma_wait3A_315] : memref<10000x128xf32, #tpu.memory_space<hbm>> -> memref<20x128xf32, #tpu.memory_space<hbm>>
        %dma_wait3A_317 = arith.constant 0 : i32
        %dma_wait3A_318 = tpu.memref_slice %arg4[%min3A_210, %dma_wait3A_317] : memref<10000x128xf32, #tpu.memory_space<hbm>> -> memref<20x128xf32, #tpu.memory_space<hbm>>
        tpu.wait_dma2 semaphore(%arg13 : memref<!tpu.dma_semaphore, #tpu.memory_space<semaphore_mem>>) src(%arg9 : memref<20x128xf32, #tpu.memory_space<vmem>>) dst(%dma_wait3A_318 : memref<20x128xf32, #tpu.memory_space<hbm>>)
      } else {
      }
      %dma_start3A_218 = arith.constant 0 : i32
      %dma_start3A_219 = arith.constant 0 : i32
      %dma_start3A_220 = tpu.memref_slice %arg7[%dma_start3A_218, %dma_start3A_219] : memref<640x64xi32, #tpu.memory_space<vmem>> -> memref<128x64xi32, #tpu.memory_space<vmem>>
      %dma_start3A_221 = arith.constant 0 : i32
      %dma_start3A_222 = tpu.memref_slice %arg5[%dma_start3A_221] : memref<640xi32, #tpu.memory_space<vmem>> -> memref<128xi32, #tpu.memory_space<vmem>>
      %dma_start3A_223 = arith.constant 0 : i32
      %dma_start3A_224 = arith.constant 0 : i32
      %dma_start3A_225 = tpu.memref_slice %arg3[%dma_start3A_223, %dma_start3A_224] : memref<100000x64xi32, #tpu.memory_space<hbm>> -> memref<100000x64xi32, #tpu.memory_space<hbm>>
      tpu.enqueue_indirect_dma source(%dma_start3A_225 : memref<100000x64xi32, #tpu.memory_space<hbm>>) target(%dma_start3A_220 : memref<128x64xi32, #tpu.memory_space<vmem>>) offsets(%dma_start3A_222 : memref<128xi32, #tpu.memory_space<vmem>>) semaphore(%arg11 : memref<!tpu.dma_semaphore, #tpu.memory_space<semaphore_mem>>)
      %dma_start3A_226 = arith.constant 128 : i32
      %dma_start3A_227 = arith.constant 0 : i32
      %dma_start3A_228 = tpu.memref_slice %arg7[%dma_start3A_226, %dma_start3A_227] : memref<640x64xi32, #tpu.memory_space<vmem>> -> memref<128x64xi32, #tpu.memory_space<vmem>>
      %dma_start3A_229 = arith.constant 128 : i32
      %dma_start3A_230 = tpu.memref_slice %arg5[%dma_start3A_229] : memref<640xi32, #tpu.memory_space<vmem>> -> memref<128xi32, #tpu.memory_space<vmem>>
      %dma_start3A_231 = arith.constant 0 : i32
      %dma_start3A_232 = arith.constant 0 : i32
      %dma_start3A_233 = tpu.memref_slice %arg3[%dma_start3A_231, %dma_start3A_232] : memref<100000x64xi32, #tpu.memory_space<hbm>> -> memref<100000x64xi32, #tpu.memory_space<hbm>>
      tpu.enqueue_indirect_dma source(%dma_start3A_233 : memref<100000x64xi32, #tpu.memory_space<hbm>>) target(%dma_start3A_228 : memref<128x64xi32, #tpu.memory_space<vmem>>) offsets(%dma_start3A_230 : memref<128xi32, #tpu.memory_space<vmem>>) semaphore(%arg11 : memref<!tpu.dma_semaphore, #tpu.memory_space<semaphore_mem>>)
      %dma_start3A_234 = arith.constant 256 : i32
      %dma_start3A_235 = arith.constant 0 : i32
      %dma_start3A_236 = tpu.memref_slice %arg7[%dma_start3A_234, %dma_start3A_235] : memref<640x64xi32, #tpu.memory_space<vmem>> -> memref<128x64xi32, #tpu.memory_space<vmem>>
      %dma_start3A_237 = arith.constant 256 : i32
      %dma_start3A_238 = tpu.memref_slice %arg5[%dma_start3A_237] : memref<640xi32, #tpu.memory_space<vmem>> -> memref<128xi32, #tpu.memory_space<vmem>>
      %dma_start3A_239 = arith.constant 0 : i32
      %dma_start3A_240 = arith.constant 0 : i32
      %dma_start3A_241 = tpu.memref_slice %arg3[%dma_start3A_239, %dma_start3A_240] : memref<100000x64xi32, #tpu.memory_space<hbm>> -> memref<100000x64xi32, #tpu.memory_space<hbm>>
      tpu.enqueue_indirect_dma source(%dma_start3A_241 : memref<100000x64xi32, #tpu.memory_space<hbm>>) target(%dma_start3A_236 : memref<128x64xi32, #tpu.memory_space<vmem>>) offsets(%dma_start3A_238 : memref<128xi32, #tpu.memory_space<vmem>>) semaphore(%arg11 : memref<!tpu.dma_semaphore, #tpu.memory_space<semaphore_mem>>)
      %dma_start3A_242 = arith.constant 384 : i32
      %dma_start3A_243 = arith.constant 0 : i32
      %dma_start3A_244 = tpu.memref_slice %arg7[%dma_start3A_242, %dma_start3A_243] : memref<640x64xi32, #tpu.memory_space<vmem>> -> memref<128x64xi32, #tpu.memory_space<vmem>>
      %dma_start3A_245 = arith.constant 384 : i32
      %dma_start3A_246 = tpu.memref_slice %arg5[%dma_start3A_245] : memref<640xi32, #tpu.memory_space<vmem>> -> memref<128xi32, #tpu.memory_space<vmem>>
      %dma_start3A_247 = arith.constant 0 : i32
      %dma_start3A_248 = arith.constant 0 : i32
      %dma_start3A_249 = tpu.memref_slice %arg3[%dma_start3A_247, %dma_start3A_248] : memref<100000x64xi32, #tpu.memory_space<hbm>> -> memref<100000x64xi32, #tpu.memory_space<hbm>>
      tpu.enqueue_indirect_dma source(%dma_start3A_249 : memref<100000x64xi32, #tpu.memory_space<hbm>>) target(%dma_start3A_244 : memref<128x64xi32, #tpu.memory_space<vmem>>) offsets(%dma_start3A_246 : memref<128xi32, #tpu.memory_space<vmem>>) semaphore(%arg11 : memref<!tpu.dma_semaphore, #tpu.memory_space<semaphore_mem>>)
      %dma_start3A_250 = arith.constant 512 : i32
      %dma_start3A_251 = arith.constant 0 : i32
      %dma_start3A_252 = tpu.memref_slice %arg7[%dma_start3A_250, %dma_start3A_251] : memref<640x64xi32, #tpu.memory_space<vmem>> -> memref<128x64xi32, #tpu.memory_space<vmem>>
      %dma_start3A_253 = arith.constant 512 : i32
      %dma_start3A_254 = tpu.memref_slice %arg5[%dma_start3A_253] : memref<640xi32, #tpu.memory_space<vmem>> -> memref<128xi32, #tpu.memory_space<vmem>>
      %dma_start3A_255 = arith.constant 0 : i32
      %dma_start3A_256 = arith.constant 0 : i32
      %dma_start3A_257 = tpu.memref_slice %arg3[%dma_start3A_255, %dma_start3A_256] : memref<100000x64xi32, #tpu.memory_space<hbm>> -> memref<100000x64xi32, #tpu.memory_space<hbm>>
      tpu.enqueue_indirect_dma source(%dma_start3A_257 : memref<100000x64xi32, #tpu.memory_space<hbm>>) target(%dma_start3A_252 : memref<128x64xi32, #tpu.memory_space<vmem>>) offsets(%dma_start3A_254 : memref<128xi32, #tpu.memory_space<vmem>>) semaphore(%arg11 : memref<!tpu.dma_semaphore, #tpu.memory_space<semaphore_mem>>)
      %dma_wait3A_258 = arith.constant 0 : i32
      %dma_wait3A_259 = arith.constant 0 : i32
      %dma_wait3A_260 = tpu.memref_slice %arg8[%dma_wait3A_258, %dma_wait3A_259] : memref<640x64xi32, #tpu.memory_space<vmem>> -> memref<128x64xi32, #tpu.memory_space<vmem>>
      %dma_wait3A_261 = arith.constant 0 : i32
      %dma_wait3A_262 = tpu.memref_slice %arg6[%dma_wait3A_261] : memref<640xi32, #tpu.memory_space<vmem>> -> memref<128xi32, #tpu.memory_space<vmem>>
      %dma_wait3A_263 = arith.constant 0 : i32
      %dma_wait3A_264 = arith.constant 0 : i32
      %dma_wait3A_265 = tpu.memref_slice %arg3[%dma_wait3A_263, %dma_wait3A_264] : memref<100000x64xi32, #tpu.memory_space<hbm>> -> memref<100000x64xi32, #tpu.memory_space<hbm>>
      tpu.wait_indirect_dma semaphore(%arg12 : memref<!tpu.dma_semaphore, #tpu.memory_space<semaphore_mem>>) src(%dma_wait3A_265 : memref<100000x64xi32, #tpu.memory_space<hbm>>) dst(%dma_wait3A_260 : memref<128x64xi32, #tpu.memory_space<vmem>>)
      %dma_wait3A_266 = arith.constant 128 : i32
      %dma_wait3A_267 = arith.constant 0 : i32
      %dma_wait3A_268 = tpu.memref_slice %arg8[%dma_wait3A_266, %dma_wait3A_267] : memref<640x64xi32, #tpu.memory_space<vmem>> -> memref<128x64xi32, #tpu.memory_space<vmem>>
      %dma_wait3A_269 = arith.constant 128 : i32
      %dma_wait3A_270 = tpu.memref_slice %arg6[%dma_wait3A_269] : memref<640xi32, #tpu.memory_space<vmem>> -> memref<128xi32, #tpu.memory_space<vmem>>
      %dma_wait3A_271 = arith.constant 0 : i32
      %dma_wait3A_272 = arith.constant 0 : i32
      %dma_wait3A_273 = tpu.memref_slice %arg3[%dma_wait3A_271, %dma_wait3A_272] : memref<100000x64xi32, #tpu.memory_space<hbm>> -> memref<100000x64xi32, #tpu.memory_space<hbm>>
      tpu.wait_indirect_dma semaphore(%arg12 : memref<!tpu.dma_semaphore, #tpu.memory_space<semaphore_mem>>) src(%dma_wait3A_273 : memref<100000x64xi32, #tpu.memory_space<hbm>>) dst(%dma_wait3A_268 : memref<128x64xi32, #tpu.memory_space<vmem>>)
      %dma_wait3A_274 = arith.constant 256 : i32
      %dma_wait3A_275 = arith.constant 0 : i32
      %dma_wait3A_276 = tpu.memref_slice %arg8[%dma_wait3A_274, %dma_wait3A_275] : memref<640x64xi32, #tpu.memory_space<vmem>> -> memref<128x64xi32, #tpu.memory_space<vmem>>
      %dma_wait3A_277 = arith.constant 256 : i32
      %dma_wait3A_278 = tpu.memref_slice %arg6[%dma_wait3A_277] : memref<640xi32, #tpu.memory_space<vmem>> -> memref<128xi32, #tpu.memory_space<vmem>>
      %dma_wait3A_279 = arith.constant 0 : i32
      %dma_wait3A_280 = arith.constant 0 : i32
      %dma_wait3A_281 = tpu.memref_slice %arg3[%dma_wait3A_279, %dma_wait3A_280] : memref<100000x64xi32, #tpu.memory_space<hbm>> -> memref<100000x64xi32, #tpu.memory_space<hbm>>
      tpu.wait_indirect_dma semaphore(%arg12 : memref<!tpu.dma_semaphore, #tpu.memory_space<semaphore_mem>>) src(%dma_wait3A_281 : memref<100000x64xi32, #tpu.memory_space<hbm>>) dst(%dma_wait3A_276 : memref<128x64xi32, #tpu.memory_space<vmem>>)
      %dma_wait3A_282 = arith.constant 384 : i32
      %dma_wait3A_283 = arith.constant 0 : i32
      %dma_wait3A_284 = tpu.memref_slice %arg8[%dma_wait3A_282, %dma_wait3A_283] : memref<640x64xi32, #tpu.memory_space<vmem>> -> memref<128x64xi32, #tpu.memory_space<vmem>>
      %dma_wait3A_285 = arith.constant 384 : i32
      %dma_wait3A_286 = tpu.memref_slice %arg6[%dma_wait3A_285] : memref<640xi32, #tpu.memory_space<vmem>> -> memref<128xi32, #tpu.memory_space<vmem>>
      %dma_wait3A_287 = arith.constant 0 : i32
      %dma_wait3A_288 = arith.constant 0 : i32
      %dma_wait3A_289 = tpu.memref_slice %arg3[%dma_wait3A_287, %dma_wait3A_288] : memref<100000x64xi32, #tpu.memory_space<hbm>> -> memref<100000x64xi32, #tpu.memory_space<hbm>>
      tpu.wait_indirect_dma semaphore(%arg12 : memref<!tpu.dma_semaphore, #tpu.memory_space<semaphore_mem>>) src(%dma_wait3A_289 : memref<100000x64xi32, #tpu.memory_space<hbm>>) dst(%dma_wait3A_284 : memref<128x64xi32, #tpu.memory_space<vmem>>)
      %dma_wait3A_290 = arith.constant 512 : i32
      %dma_wait3A_291 = arith.constant 0 : i32
      %dma_wait3A_292 = tpu.memref_slice %arg8[%dma_wait3A_290, %dma_wait3A_291] : memref<640x64xi32, #tpu.memory_space<vmem>> -> memref<128x64xi32, #tpu.memory_space<vmem>>
      %dma_wait3A_293 = arith.constant 512 : i32
      %dma_wait3A_294 = tpu.memref_slice %arg6[%dma_wait3A_293] : memref<640xi32, #tpu.memory_space<vmem>> -> memref<128xi32, #tpu.memory_space<vmem>>
      %dma_wait3A_295 = arith.constant 0 : i32
      %dma_wait3A_296 = arith.constant 0 : i32
      %dma_wait3A_297 = tpu.memref_slice %arg3[%dma_wait3A_295, %dma_wait3A_296] : memref<100000x64xi32, #tpu.memory_space<hbm>> -> memref<100000x64xi32, #tpu.memory_space<hbm>>
      tpu.wait_indirect_dma semaphore(%arg12 : memref<!tpu.dma_semaphore, #tpu.memory_space<semaphore_mem>>) src(%dma_wait3A_297 : memref<100000x64xi32, #tpu.memory_space<hbm>>) dst(%dma_wait3A_292 : memref<128x64xi32, #tpu.memory_space<vmem>>)
      %add3A_298 = arith.constant 1 : i32
      %add3A_299 = arith.addi %mul3A_97, %add3A_298 : i32
      %mul3A_300 = arith.constant 20 : i32
      %mul3A_301 = arith.muli %add3A_299, %mul3A_300 : i32
      %add3A_302 = arith.addi %mul3A_2, %mul3A_301 : i32
      %min3A_303 = arith.constant 9980 : i32
      %min3A_304 = arith.minsi %add3A_302, %min3A_303 : i32
      %scan3A_305 = arith.constant 0 : i32
      %scan3A_306 = arith.constant 0 : i32
      %scan3A_307 = arith.constant 20 : i32
      %scan3A_308 = arith.addi %scan3A_306, %scan3A_307 : i32
      %scan3A_309 = arith.constant 1 : i32
      scf.for %scan3A_315 = %scan3A_306 to %scan3A_308 step %scan3A_309  : i32 {
        %mul3A_316 = arith.constant 32 : i32
        %mul3A_317 = arith.muli %scan3A_315, %mul3A_316 : i32
        %broadcast_in_dim3A = arith.constant 0.000000e+00 : f32
        %broadcast_in_dim3A_318 = vector.broadcast %broadcast_in_dim3A : f32 to vector<16xf32>
        %scan3A_319 = arith.constant -65536 : i32
        %scan3A_320 = arith.constant 0 : i32
        %scan3A_321 = arith.constant 8 : i32
        %scan3A_322 = arith.addi %scan3A_320, %scan3A_321 : i32
        %scan3A_323 = arith.constant 1 : i32
        %scan3A_324:8 = scf.for %scan3A_389 = %scan3A_320 to %scan3A_322 step %scan3A_323 iter_args(%scan3A_390 = %broadcast_in_dim3A_318, %scan3A_391 = %broadcast_in_dim3A_318, %scan3A_392 = %broadcast_in_dim3A_318, %scan3A_393 = %broadcast_in_dim3A_318, %scan3A_394 = %broadcast_in_dim3A_318, %scan3A_395 = %broadcast_in_dim3A_318, %scan3A_396 = %broadcast_in_dim3A_318, %scan3A_397 = %broadcast_in_dim3A_318) -> (vector<16xf32>, vector<16xf32>, vector<16xf32>, vector<16xf32>, vector<16xf32>, vector<16xf32>, vector<16xf32>, vector<16xf32>)  : i32 {
          %mul3A_398 = arith.constant 4 : i32
          %mul3A_399 = arith.muli %scan3A_389, %mul3A_398 : i32
          %add3A_400 = arith.addi %mul3A_317, %mul3A_399 : i32
          %add3A_401 = arith.constant 0 : i32
          %add3A_402 = arith.addi %add3A_400, %add3A_401 : i32
          %get3A = arith.index_cast %add3A_402 : i32 to index
          %get3A_403 = arith.constant 0 : index
          %get3A_404 = tpu.vector_load %arg8[%get3A, %get3A_403] {strides = array<i32>} : memref<640x64xi32, #tpu.memory_space<vmem>>, vector<1x16xi32>,
          %get3A_405 = vector.shape_cast %get3A_404 : vector<1x16xi32> to vector<16xi32>
          %shift_left3A = arith.constant 16 : i32
          %shift_left3A_406 = vector.broadcast %shift_left3A : i32 to vector<16xi32>
          %shift_left3A_407 = arith.shli %get3A_405, %shift_left3A_406 : vector<16xi32>
          %bitcast_convert_type3A = tpu.bitcast %shift_left3A_407 : vector<16xi32> -> vector<16xf32>
          %add3A_408 = arith.addf %scan3A_390, %bitcast_convert_type3A : vector<16xf32>
          %and3A = vector.broadcast %scan3A_319 : i32 to vector<16xi32>
          %and3A_409 = arith.andi %get3A_405, %and3A : vector<16xi32>
          %bitcast_convert_type3A_410 = tpu.bitcast %and3A_409 : vector<16xi32> -> vector<16xf32>
          %add3A_411 = arith.addf %scan3A_394, %bitcast_convert_type3A_410 : vector<16xf32>
          %get3A_412 = arith.index_cast %add3A_402 : i32 to index
          %get3A_413 = arith.constant 16 : index
          %get3A_414 = tpu.vector_load %arg8[%get3A_412, %get3A_413] {strides = array<i32>} : memref<640x64xi32, #tpu.memory_space<vmem>>, vector<1x16xi32>,
          %get3A_415 = vector.shape_cast %get3A_414 : vector<1x16xi32> to vector<16xi32>
          %shift_left3A_416 = arith.constant 16 : i32
          %shift_left3A_417 = vector.broadcast %shift_left3A_416 : i32 to vector<16xi32>
          %shift_left3A_418 = arith.shli %get3A_415, %shift_left3A_417 : vector<16xi32>
          %bitcast_convert_type3A_419 = tpu.bitcast %shift_left3A_418 : vector<16xi32> -> vector<16xf32>
          %add3A_420 = arith.addf %scan3A_391, %bitcast_convert_type3A_419 : vector<16xf32>
          %and3A_421 = vector.broadcast %scan3A_319 : i32 to vector<16xi32>
          %and3A_422 = arith.andi %get3A_415, %and3A_421 : vector<16xi32>
          %bitcast_convert_type3A_423 = tpu.bitcast %and3A_422 : vector<16xi32> -> vector<16xf32>
          %add3A_424 = arith.addf %scan3A_395, %bitcast_convert_type3A_423 : vector<16xf32>
          %get3A_425 = arith.index_cast %add3A_402 : i32 to index
          %get3A_426 = arith.constant 32 : index
          %get3A_427 = tpu.vector_load %arg8[%get3A_425, %get3A_426] {strides = array<i32>} : memref<640x64xi32, #tpu.memory_space<vmem>>, vector<1x16xi32>,
          %get3A_428 = vector.shape_cast %get3A_427 : vector<1x16xi32> to vector<16xi32>
          %shift_left3A_429 = arith.constant 16 : i32
          %shift_left3A_430 = vector.broadcast %shift_left3A_429 : i32 to vector<16xi32>
          %shift_left3A_431 = arith.shli %get3A_428, %shift_left3A_430 : vector<16xi32>
          %bitcast_convert_type3A_432 = tpu.bitcast %shift_left3A_431 : vector<16xi32> -> vector<16xf32>
          %add3A_433 = arith.addf %scan3A_392, %bitcast_convert_type3A_432 : vector<16xf32>
          %and3A_434 = vector.broadcast %scan3A_319 : i32 to vector<16xi32>
          %and3A_435 = arith.andi %get3A_428, %and3A_434 : vector<16xi32>
          %bitcast_convert_type3A_436 = tpu.bitcast %and3A_435 : vector<16xi32> -> vector<16xf32>
          %add3A_437 = arith.addf %scan3A_396, %bitcast_convert_type3A_436 : vector<16xf32>
          %get3A_438 = arith.index_cast %add3A_402 : i32 to index
          %get3A_439 = arith.constant 48 : index
          %get3A_440 = tpu.vector_load %arg8[%get3A_438, %get3A_439] {strides = array<i32>} : memref<640x64xi32, #tpu.memory_space<vmem>>, vector<1x16xi32>,
          %get3A_441 = vector.shape_cast %get3A_440 : vector<1x16xi32> to vector<16xi32>
          %shift_left3A_442 = arith.constant 16 : i32
          %shift_left3A_443 = vector.broadcast %shift_left3A_442 : i32 to vector<16xi32>
          %shift_left3A_444 = arith.shli %get3A_441, %shift_left3A_443 : vector<16xi32>
          %bitcast_convert_type3A_445 = tpu.bitcast %shift_left3A_444 : vector<16xi32> -> vector<16xf32>
          %add3A_446 = arith.addf %scan3A_393, %bitcast_convert_type3A_445 : vector<16xf32>
          %and3A_447 = vector.broadcast %scan3A_319 : i32 to vector<16xi32>
          %and3A_448 = arith.andi %get3A_441, %and3A_447 : vector<16xi32>
          %bitcast_convert_type3A_449 = tpu.bitcast %and3A_448 : vector<16xi32> -> vector<16xf32>
          %add3A_450 = arith.addf %scan3A_397, %bitcast_convert_type3A_449 : vector<16xf32>
          %mul3A_451 = arith.constant 4 : i32
          %mul3A_452 = arith.muli %scan3A_389, %mul3A_451 : i32
          %add3A_453 = arith.addi %mul3A_317, %mul3A_452 : i32
          %add3A_454 = arith.constant 1 : i32
          %add3A_455 = arith.addi %add3A_453, %add3A_454 : i32
          %get3A_456 = arith.index_cast %add3A_455 : i32 to index
          %get3A_457 = arith.constant 0 : index
          %get3A_458 = tpu.vector_load %arg8[%get3A_456, %get3A_457] {strides = array<i32>} : memref<640x64xi32, #tpu.memory_space<vmem>>, vector<1x16xi32>,
          %get3A_459 = vector.shape_cast %get3A_458 : vector<1x16xi32> to vector<16xi32>
          %shift_left3A_460 = arith.constant 16 : i32
          %shift_left3A_461 = vector.broadcast %shift_left3A_460 : i32 to vector<16xi32>
          %shift_left3A_462 = arith.shli %get3A_459, %shift_left3A_461 : vector<16xi32>
          %bitcast_convert_type3A_463 = tpu.bitcast %shift_left3A_462 : vector<16xi32> -> vector<16xf32>
          %add3A_464 = arith.addf %add3A_408, %bitcast_convert_type3A_463 : vector<16xf32>
          %and3A_465 = vector.broadcast %scan3A_319 : i32 to vector<16xi32>
          %and3A_466 = arith.andi %get3A_459, %and3A_465 : vector<16xi32>
          %bitcast_convert_type3A_467 = tpu.bitcast %and3A_466 : vector<16xi32> -> vector<16xf32>
          %add3A_468 = arith.addf %add3A_411, %bitcast_convert_type3A_467 : vector<16xf32>
          %get3A_469 = arith.index_cast %add3A_455 : i32 to index
          %get3A_470 = arith.constant 16 : index
          %get3A_471 = tpu.vector_load %arg8[%get3A_469, %get3A_470] {strides = array<i32>} : memref<640x64xi32, #tpu.memory_space<vmem>>, vector<1x16xi32>,
          %get3A_472 = vector.shape_cast %get3A_471 : vector<1x16xi32> to vector<16xi32>
          %shift_left3A_473 = arith.constant 16 : i32
          %shift_left3A_474 = vector.broadcast %shift_left3A_473 : i32 to vector<16xi32>
          %shift_left3A_475 = arith.shli %get3A_472, %shift_left3A_474 : vector<16xi32>
          %bitcast_convert_type3A_476 = tpu.bitcast %shift_left3A_475 : vector<16xi32> -> vector<16xf32>
          %add3A_477 = arith.addf %add3A_420, %bitcast_convert_type3A_476 : vector<16xf32>
          %and3A_478 = vector.broadcast %scan3A_319 : i32 to vector<16xi32>
          %and3A_479 = arith.andi %get3A_472, %and3A_478 : vector<16xi32>
          %bitcast_convert_type3A_480 = tpu.bitcast %and3A_479 : vector<16xi32> -> vector<16xf32>
          %add3A_481 = arith.addf %add3A_424, %bitcast_convert_type3A_480 : vector<16xf32>
          %get3A_482 = arith.index_cast %add3A_455 : i32 to index
          %get3A_483 = arith.constant 32 : index
          %get3A_484 = tpu.vector_load %arg8[%get3A_482, %get3A_483] {strides = array<i32>} : memref<640x64xi32, #tpu.memory_space<vmem>>, vector<1x16xi32>,
          %get3A_485 = vector.shape_cast %get3A_484 : vector<1x16xi32> to vector<16xi32>
          %shift_left3A_486 = arith.constant 16 : i32
          %shift_left3A_487 = vector.broadcast %shift_left3A_486 : i32 to vector<16xi32>
          %shift_left3A_488 = arith.shli %get3A_485, %shift_left3A_487 : vector<16xi32>
          %bitcast_convert_type3A_489 = tpu.bitcast %shift_left3A_488 : vector<16xi32> -> vector<16xf32>
          %add3A_490 = arith.addf %add3A_433, %bitcast_convert_type3A_489 : vector<16xf32>
          %and3A_491 = vector.broadcast %scan3A_319 : i32 to vector<16xi32>
          %and3A_492 = arith.andi %get3A_485, %and3A_491 : vector<16xi32>
          %bitcast_convert_type3A_493 = tpu.bitcast %and3A_492 : vector<16xi32> -> vector<16xf32>
          %add3A_494 = arith.addf %add3A_437, %bitcast_convert_type3A_493 : vector<16xf32>
          %get3A_495 = arith.index_cast %add3A_455 : i32 to index
          %get3A_496 = arith.constant 48 : index
          %get3A_497 = tpu.vector_load %arg8[%get3A_495, %get3A_496] {strides = array<i32>} : memref<640x64xi32, #tpu.memory_space<vmem>>, vector<1x16xi32>,
          %get3A_498 = vector.shape_cast %get3A_497 : vector<1x16xi32> to vector<16xi32>
          %shift_left3A_499 = arith.constant 16 : i32
          %shift_left3A_500 = vector.broadcast %shift_left3A_499 : i32 to vector<16xi32>
          %shift_left3A_501 = arith.shli %get3A_498, %shift_left3A_500 : vector<16xi32>
          %bitcast_convert_type3A_502 = tpu.bitcast %shift_left3A_501 : vector<16xi32> -> vector<16xf32>
          %add3A_503 = arith.addf %add3A_446, %bitcast_convert_type3A_502 : vector<16xf32>
          %and3A_504 = vector.broadcast %scan3A_319 : i32 to vector<16xi32>
          %and3A_505 = arith.andi %get3A_498, %and3A_504 : vector<16xi32>
          %bitcast_convert_type3A_506 = tpu.bitcast %and3A_505 : vector<16xi32> -> vector<16xf32>
          %add3A_507 = arith.addf %add3A_450, %bitcast_convert_type3A_506 : vector<16xf32>
          %mul3A_508 = arith.constant 4 : i32
          %mul3A_509 = arith.muli %scan3A_389, %mul3A_508 : i32
          %add3A_510 = arith.addi %mul3A_317, %mul3A_509 : i32
          %add3A_511 = arith.constant 2 : i32
          %add3A_512 = arith.addi %add3A_510, %add3A_511 : i32
          %get3A_513 = arith.index_cast %add3A_512 : i32 to index
          %get3A_514 = arith.constant 0 : index
          %get3A_515 = tpu.vector_load %arg8[%get3A_513, %get3A_514] {strides = array<i32>} : memref<640x64xi32, #tpu.memory_space<vmem>>, vector<1x16xi32>,
          %get3A_516 = vector.shape_cast %get3A_515 : vector<1x16xi32> to vector<16xi32>
          %shift_left3A_517 = arith.constant 16 : i32
          %shift_left3A_518 = vector.broadcast %shift_left3A_517 : i32 to vector<16xi32>
          %shift_left3A_519 = arith.shli %get3A_516, %shift_left3A_518 : vector<16xi32>
          %bitcast_convert_type3A_520 = tpu.bitcast %shift_left3A_519 : vector<16xi32> -> vector<16xf32>
          %add3A_521 = arith.addf %add3A_464, %bitcast_convert_type3A_520 : vector<16xf32>
          %and3A_522 = vector.broadcast %scan3A_319 : i32 to vector<16xi32>
          %and3A_523 = arith.andi %get3A_516, %and3A_522 : vector<16xi32>
          %bitcast_convert_type3A_524 = tpu.bitcast %and3A_523 : vector<16xi32> -> vector<16xf32>
          %add3A_525 = arith.addf %add3A_468, %bitcast_convert_type3A_524 : vector<16xf32>
          %get3A_526 = arith.index_cast %add3A_512 : i32 to index
          %get3A_527 = arith.constant 16 : index
          %get3A_528 = tpu.vector_load %arg8[%get3A_526, %get3A_527] {strides = array<i32>} : memref<640x64xi32, #tpu.memory_space<vmem>>, vector<1x16xi32>,
          %get3A_529 = vector.shape_cast %get3A_528 : vector<1x16xi32> to vector<16xi32>
          %shift_left3A_530 = arith.constant 16 : i32
          %shift_left3A_531 = vector.broadcast %shift_left3A_530 : i32 to vector<16xi32>
          %shift_left3A_532 = arith.shli %get3A_529, %shift_left3A_531 : vector<16xi32>
          %bitcast_convert_type3A_533 = tpu.bitcast %shift_left3A_532 : vector<16xi32> -> vector<16xf32>
          %add3A_534 = arith.addf %add3A_477, %bitcast_convert_type3A_533 : vector<16xf32>
          %and3A_535 = vector.broadcast %scan3A_319 : i32 to vector<16xi32>
          %and3A_536 = arith.andi %get3A_529, %and3A_535 : vector<16xi32>
          %bitcast_convert_type3A_537 = tpu.bitcast %and3A_536 : vector<16xi32> -> vector<16xf32>
          %add3A_538 = arith.addf %add3A_481, %bitcast_convert_type3A_537 : vector<16xf32>
          %get3A_539 = arith.index_cast %add3A_512 : i32 to index
          %get3A_540 = arith.constant 32 : index
          %get3A_541 = tpu.vector_load %arg8[%get3A_539, %get3A_540] {strides = array<i32>} : memref<640x64xi32, #tpu.memory_space<vmem>>, vector<1x16xi32>,
          %get3A_542 = vector.shape_cast %get3A_541 : vector<1x16xi32> to vector<16xi32>
          %shift_left3A_543 = arith.constant 16 : i32
          %shift_left3A_544 = vector.broadcast %shift_left3A_543 : i32 to vector<16xi32>
          %shift_left3A_545 = arith.shli %get3A_542, %shift_left3A_544 : vector<16xi32>
          %bitcast_convert_type3A_546 = tpu.bitcast %shift_left3A_545 : vector<16xi32> -> vector<16xf32>
          %add3A_547 = arith.addf %add3A_490, %bitcast_convert_type3A_546 : vector<16xf32>
          %and3A_548 = vector.broadcast %scan3A_319 : i32 to vector<16xi32>
          %and3A_549 = arith.andi %get3A_542, %and3A_548 : vector<16xi32>
          %bitcast_convert_type3A_550 = tpu.bitcast %and3A_549 : vector<16xi32> -> vector<16xf32>
          %add3A_551 = arith.addf %add3A_494, %bitcast_convert_type3A_550 : vector<16xf32>
          %get3A_552 = arith.index_cast %add3A_512 : i32 to index
          %get3A_553 = arith.constant 48 : index
          %get3A_554 = tpu.vector_load %arg8[%get3A_552, %get3A_553] {strides = array<i32>} : memref<640x64xi32, #tpu.memory_space<vmem>>, vector<1x16xi32>,
          %get3A_555 = vector.shape_cast %get3A_554 : vector<1x16xi32> to vector<16xi32>
          %shift_left3A_556 = arith.constant 16 : i32
          %shift_left3A_557 = vector.broadcast %shift_left3A_556 : i32 to vector<16xi32>
          %shift_left3A_558 = arith.shli %get3A_555, %shift_left3A_557 : vector<16xi32>
          %bitcast_convert_type3A_559 = tpu.bitcast %shift_left3A_558 : vector<16xi32> -> vector<16xf32>
          %add3A_560 = arith.addf %add3A_503, %bitcast_convert_type3A_559 : vector<16xf32>
          %and3A_561 = vector.broadcast %scan3A_319 : i32 to vector<16xi32>
          %and3A_562 = arith.andi %get3A_555, %and3A_561 : vector<16xi32>
          %bitcast_convert_type3A_563 = tpu.bitcast %and3A_562 : vector<16xi32> -> vector<16xf32>
          %add3A_564 = arith.addf %add3A_507, %bitcast_convert_type3A_563 : vector<16xf32>
          %mul3A_565 = arith.constant 4 : i32
          %mul3A_566 = arith.muli %scan3A_389, %mul3A_565 : i32
          %add3A_567 = arith.addi %mul3A_317, %mul3A_566 : i32
          %add3A_568 = arith.constant 3 : i32
          %add3A_569 = arith.addi %add3A_567, %add3A_568 : i32
          %get3A_570 = arith.index_cast %add3A_569 : i32 to index
          %get3A_571 = arith.constant 0 : index
          %get3A_572 = tpu.vector_load %arg8[%get3A_570, %get3A_571] {strides = array<i32>} : memref<640x64xi32, #tpu.memory_space<vmem>>, vector<1x16xi32>,
          %get3A_573 = vector.shape_cast %get3A_572 : vector<1x16xi32> to vector<16xi32>
          %shift_left3A_574 = arith.constant 16 : i32
          %shift_left3A_575 = vector.broadcast %shift_left3A_574 : i32 to vector<16xi32>
          %shift_left3A_576 = arith.shli %get3A_573, %shift_left3A_575 : vector<16xi32>
          %bitcast_convert_type3A_577 = tpu.bitcast %shift_left3A_576 : vector<16xi32> -> vector<16xf32>
          %add3A_578 = arith.addf %add3A_521, %bitcast_convert_type3A_577 : vector<16xf32>
          %and3A_579 = vector.broadcast %scan3A_319 : i32 to vector<16xi32>
          %and3A_580 = arith.andi %get3A_573, %and3A_579 : vector<16xi32>
          %bitcast_convert_type3A_581 = tpu.bitcast %and3A_580 : vector<16xi32> -> vector<16xf32>
          %add3A_582 = arith.addf %add3A_525, %bitcast_convert_type3A_581 : vector<16xf32>
          %get3A_583 = arith.index_cast %add3A_569 : i32 to index
          %get3A_584 = arith.constant 16 : index
          %get3A_585 = tpu.vector_load %arg8[%get3A_583, %get3A_584] {strides = array<i32>} : memref<640x64xi32, #tpu.memory_space<vmem>>, vector<1x16xi32>,
          %get3A_586 = vector.shape_cast %get3A_585 : vector<1x16xi32> to vector<16xi32>
          %shift_left3A_587 = arith.constant 16 : i32
          %shift_left3A_588 = vector.broadcast %shift_left3A_587 : i32 to vector<16xi32>
          %shift_left3A_589 = arith.shli %get3A_586, %shift_left3A_588 : vector<16xi32>
          %bitcast_convert_type3A_590 = tpu.bitcast %shift_left3A_589 : vector<16xi32> -> vector<16xf32>
          %add3A_591 = arith.addf %add3A_534, %bitcast_convert_type3A_590 : vector<16xf32>
          %and3A_592 = vector.broadcast %scan3A_319 : i32 to vector<16xi32>
          %and3A_593 = arith.andi %get3A_586, %and3A_592 : vector<16xi32>
          %bitcast_convert_type3A_594 = tpu.bitcast %and3A_593 : vector<16xi32> -> vector<16xf32>
          %add3A_595 = arith.addf %add3A_538, %bitcast_convert_type3A_594 : vector<16xf32>
          %get3A_596 = arith.index_cast %add3A_569 : i32 to index
          %get3A_597 = arith.constant 32 : index
          %get3A_598 = tpu.vector_load %arg8[%get3A_596, %get3A_597] {strides = array<i32>} : memref<640x64xi32, #tpu.memory_space<vmem>>, vector<1x16xi32>,
          %get3A_599 = vector.shape_cast %get3A_598 : vector<1x16xi32> to vector<16xi32>
          %shift_left3A_600 = arith.constant 16 : i32
          %shift_left3A_601 = vector.broadcast %shift_left3A_600 : i32 to vector<16xi32>
          %shift_left3A_602 = arith.shli %get3A_599, %shift_left3A_601 : vector<16xi32>
          %bitcast_convert_type3A_603 = tpu.bitcast %shift_left3A_602 : vector<16xi32> -> vector<16xf32>
          %add3A_604 = arith.addf %add3A_547, %bitcast_convert_type3A_603 : vector<16xf32>
          %and3A_605 = vector.broadcast %scan3A_319 : i32 to vector<16xi32>
          %and3A_606 = arith.andi %get3A_599, %and3A_605 : vector<16xi32>
          %bitcast_convert_type3A_607 = tpu.bitcast %and3A_606 : vector<16xi32> -> vector<16xf32>
          %add3A_608 = arith.addf %add3A_551, %bitcast_convert_type3A_607 : vector<16xf32>
          %get3A_609 = arith.index_cast %add3A_569 : i32 to index
          %get3A_610 = arith.constant 48 : index
          %get3A_611 = tpu.vector_load %arg8[%get3A_609, %get3A_610] {strides = array<i32>} : memref<640x64xi32, #tpu.memory_space<vmem>>, vector<1x16xi32>,
          %get3A_612 = vector.shape_cast %get3A_611 : vector<1x16xi32> to vector<16xi32>
          %shift_left3A_613 = arith.constant 16 : i32
          %shift_left3A_614 = vector.broadcast %shift_left3A_613 : i32 to vector<16xi32>
          %shift_left3A_615 = arith.shli %get3A_612, %shift_left3A_614 : vector<16xi32>
          %bitcast_convert_type3A_616 = tpu.bitcast %shift_left3A_615 : vector<16xi32> -> vector<16xf32>
          %add3A_617 = arith.addf %add3A_560, %bitcast_convert_type3A_616 : vector<16xf32>
          %and3A_618 = vector.broadcast %scan3A_319 : i32 to vector<16xi32>
          %and3A_619 = arith.andi %get3A_612, %and3A_618 : vector<16xi32>
          %bitcast_convert_type3A_620 = tpu.bitcast %and3A_619 : vector<16xi32> -> vector<16xf32>
          %add3A_621 = arith.addf %add3A_564, %bitcast_convert_type3A_620 : vector<16xf32>
          scf.yield %add3A_578, %add3A_591, %add3A_604, %add3A_617, %add3A_582, %add3A_595, %add3A_608, %add3A_621 : vector<16xf32>, vector<16xf32>, vector<16xf32>, vector<16xf32>, vector<16xf32>, vector<16xf32>, vector<16xf32>, vector<16xf32>
        }
        %scan3A_325 = arith.constant 8 : i32
        %mul3A_326 = arith.constant 3.125000e-02 : f32
        %mul3A_327 = vector.broadcast %mul3A_326 : f32 to vector<16xf32>
        %mul3A_328 = arith.mulf %scan3A_324#0, %mul3A_327 : vector<16xf32>
        %swap3A = arith.index_cast %scan3A_315 : i32 to index
        %swap3A_329 = arith.constant 0 : index
        %swap3A_330 = tpu.vector_load %arg10[%swap3A, %swap3A_329] {strides = array<i32>} : memref<20x128xf32, #tpu.memory_space<vmem>>, vector<1x16xf32>,
        %swap3A_331 = vector.shape_cast %swap3A_330 : vector<1x16xf32> to vector<16xf32>
        %swap3A_332 = vector.shape_cast %mul3A_328 : vector<16xf32> to vector<1x16xf32>
        tpu.vector_store %arg10[%swap3A, %swap3A_329], %swap3A_332 {strides = array<i32>} : memref<20x128xf32, #tpu.memory_space<vmem>>, vector<1x16xf32>,
        %mul3A_333 = arith.constant 3.125000e-02 : f32
        %mul3A_334 = vector.broadcast %mul3A_333 : f32 to vector<16xf32>
        %mul3A_335 = arith.mulf %scan3A_324#4, %mul3A_334 : vector<16xf32>
        %swap3A_336 = arith.index_cast %scan3A_315 : i32 to index
        %swap3A_337 = arith.constant 64 : index
        %swap3A_338 = tpu.vector_load %arg10[%swap3A_336, %swap3A_337] {strides = array<i32>} : memref<20x128xf32, #tpu.memory_space<vmem>>, vector<1x16xf32>,
        %swap3A_339 = vector.shape_cast %swap3A_338 : vector<1x16xf32> to vector<16xf32>
        %swap3A_340 = vector.shape_cast %mul3A_335 : vector<16xf32> to vector<1x16xf32>
        tpu.vector_store %arg10[%swap3A_336, %swap3A_337], %swap3A_340 {strides = array<i32>} : memref<20x128xf32, #tpu.memory_space<vmem>>, vector<1x16xf32>,
        %mul3A_341 = arith.constant 3.125000e-02 : f32
        %mul3A_342 = vector.broadcast %mul3A_341 : f32 to vector<16xf32>
        %mul3A_343 = arith.mulf %scan3A_324#1, %mul3A_342 : vector<16xf32>
        %swap3A_344 = arith.index_cast %scan3A_315 : i32 to index
        %swap3A_345 = arith.constant 16 : index
        %swap3A_346 = tpu.vector_load %arg10[%swap3A_344, %swap3A_345] {strides = array<i32>} : memref<20x128xf32, #tpu.memory_space<vmem>>, vector<1x16xf32>,
        %swap3A_347 = vector.shape_cast %swap3A_346 : vector<1x16xf32> to vector<16xf32>
        %swap3A_348 = vector.shape_cast %mul3A_343 : vector<16xf32> to vector<1x16xf32>
        tpu.vector_store %arg10[%swap3A_344, %swap3A_345], %swap3A_348 {strides = array<i32>} : memref<20x128xf32, #tpu.memory_space<vmem>>, vector<1x16xf32>,
        %mul3A_349 = arith.constant 3.125000e-02 : f32
        %mul3A_350 = vector.broadcast %mul3A_349 : f32 to vector<16xf32>
        %mul3A_351 = arith.mulf %scan3A_324#5, %mul3A_350 : vector<16xf32>
        %swap3A_352 = arith.index_cast %scan3A_315 : i32 to index
        %swap3A_353 = arith.constant 80 : index
        %swap3A_354 = tpu.vector_load %arg10[%swap3A_352, %swap3A_353] {strides = array<i32>} : memref<20x128xf32, #tpu.memory_space<vmem>>, vector<1x16xf32>,
        %swap3A_355 = vector.shape_cast %swap3A_354 : vector<1x16xf32> to vector<16xf32>
        %swap3A_356 = vector.shape_cast %mul3A_351 : vector<16xf32> to vector<1x16xf32>
        tpu.vector_store %arg10[%swap3A_352, %swap3A_353], %swap3A_356 {strides = array<i32>} : memref<20x128xf32, #tpu.memory_space<vmem>>, vector<1x16xf32>,
        %mul3A_357 = arith.constant 3.125000e-02 : f32
        %mul3A_358 = vector.broadcast %mul3A_357 : f32 to vector<16xf32>
        %mul3A_359 = arith.mulf %scan3A_324#2, %mul3A_358 : vector<16xf32>
        %swap3A_360 = arith.index_cast %scan3A_315 : i32 to index
        %swap3A_361 = arith.constant 32 : index
        %swap3A_362 = tpu.vector_load %arg10[%swap3A_360, %swap3A_361] {strides = array<i32>} : memref<20x128xf32, #tpu.memory_space<vmem>>, vector<1x16xf32>,
        %swap3A_363 = vector.shape_cast %swap3A_362 : vector<1x16xf32> to vector<16xf32>
        %swap3A_364 = vector.shape_cast %mul3A_359 : vector<16xf32> to vector<1x16xf32>
        tpu.vector_store %arg10[%swap3A_360, %swap3A_361], %swap3A_364 {strides = array<i32>} : memref<20x128xf32, #tpu.memory_space<vmem>>, vector<1x16xf32>,
        %mul3A_365 = arith.constant 3.125000e-02 : f32
        %mul3A_366 = vector.broadcast %mul3A_365 : f32 to vector<16xf32>
        %mul3A_367 = arith.mulf %scan3A_324#6, %mul3A_366 : vector<16xf32>
        %swap3A_368 = arith.index_cast %scan3A_315 : i32 to index
        %swap3A_369 = arith.constant 96 : index
        %swap3A_370 = tpu.vector_load %arg10[%swap3A_368, %swap3A_369] {strides = array<i32>} : memref<20x128xf32, #tpu.memory_space<vmem>>, vector<1x16xf32>,
        %swap3A_371 = vector.shape_cast %swap3A_370 : vector<1x16xf32> to vector<16xf32>
        %swap3A_372 = vector.shape_cast %mul3A_367 : vector<16xf32> to vector<1x16xf32>
        tpu.vector_store %arg10[%swap3A_368, %swap3A_369], %swap3A_372 {strides = array<i32>} : memref<20x128xf32, #tpu.memory_space<vmem>>, vector<1x16xf32>,
        %mul3A_373 = arith.constant 3.125000e-02 : f32
        %mul3A_374 = vector.broadcast %mul3A_373 : f32 to vector<16xf32>
        %mul3A_375 = arith.mulf %scan3A_324#3, %mul3A_374 : vector<16xf32>
        %swap3A_376 = arith.index_cast %scan3A_315 : i32 to index
        %swap3A_377 = arith.constant 48 : index
        %swap3A_378 = tpu.vector_load %arg10[%swap3A_376, %swap3A_377] {strides = array<i32>} : memref<20x128xf32, #tpu.memory_space<vmem>>, vector<1x16xf32>,
        %swap3A_379 = vector.shape_cast %swap3A_378 : vector<1x16xf32> to vector<16xf32>
        %swap3A_380 = vector.shape_cast %mul3A_375 : vector<16xf32> to vector<1x16xf32>
        tpu.vector_store %arg10[%swap3A_376, %swap3A_377], %swap3A_380 {strides = array<i32>} : memref<20x128xf32, #tpu.memory_space<vmem>>, vector<1x16xf32>,
        %mul3A_381 = arith.constant 3.125000e-02 : f32
        %mul3A_382 = vector.broadcast %mul3A_381 : f32 to vector<16xf32>
        %mul3A_383 = arith.mulf %scan3A_324#7, %mul3A_382 : vector<16xf32>
        %swap3A_384 = arith.index_cast %scan3A_315 : i32 to index
        %swap3A_385 = arith.constant 112 : index
        %swap3A_386 = tpu.vector_load %arg10[%swap3A_384, %swap3A_385] {strides = array<i32>} : memref<20x128xf32, #tpu.memory_space<vmem>>, vector<1x16xf32>,
        %swap3A_387 = vector.shape_cast %swap3A_386 : vector<1x16xf32> to vector<16xf32>
        %swap3A_388 = vector.shape_cast %mul3A_383 : vector<16xf32> to vector<1x16xf32>
        tpu.vector_store %arg10[%swap3A_384, %swap3A_385], %swap3A_388 {strides = array<i32>} : memref<20x128xf32, #tpu.memory_space<vmem>>, vector<1x16xf32>,
      }
      %scan3A_310 = arith.constant 20 : i32
      %dma_start3A_311 = arith.constant 0 : i32
      %dma_start3A_312 = tpu.memref_slice %arg4[%min3A_304, %dma_start3A_311] : memref<10000x128xf32, #tpu.memory_space<hbm>> -> memref<20x128xf32, #tpu.memory_space<hbm>>
      %dma_start3A_313 = arith.constant 0 : i32
      %dma_start3A_314 = tpu.memref_slice %arg4[%min3A_304, %dma_start3A_313] : memref<10000x128xf32, #tpu.memory_space<hbm>> -> memref<20x128xf32, #tpu.memory_space<hbm>>
      tpu.enqueue_dma source(%arg10 : memref<20x128xf32, #tpu.memory_space<vmem>>) target(%dma_start3A_314 : memref<20x128xf32, #tpu.memory_space<hbm>>) target_semaphore(%arg14 : memref<!tpu.dma_semaphore, #tpu.memory_space<semaphore_mem>>)
    }
    %scan3A_51 = arith.constant 8 : i32
    %dma_wait3A = arith.constant 0 : i32
    %dma_wait3A_52 = arith.constant 0 : i32
    %dma_wait3A_53 = tpu.memref_slice %arg7[%dma_wait3A, %dma_wait3A_52] : memref<640x64xi32, #tpu.memory_space<vmem>> -> memref<128x64xi32, #tpu.memory_space<vmem>>
    %dma_wait3A_54 = arith.constant 0 : i32
    %dma_wait3A_55 = tpu.memref_slice %arg5[%dma_wait3A_54] : memref<640xi32, #tpu.memory_space<vmem>> -> memref<128xi32, #tpu.memory_space<vmem>>
    %dma_wait3A_56 = arith.constant 0 : i32
    %dma_wait3A_57 = arith.constant 0 : i32
    %dma_wait3A_58 = tpu.memref_slice %arg3[%dma_wait3A_56, %dma_wait3A_57] : memref<100000x64xi32, #tpu.memory_space<hbm>> -> memref<100000x64xi32, #tpu.memory_space<hbm>>
    tpu.wait_indirect_dma semaphore(%arg11 : memref<!tpu.dma_semaphore, #tpu.memory_space<semaphore_mem>>) src(%dma_wait3A_58 : memref<100000x64xi32, #tpu.memory_space<hbm>>) dst(%dma_wait3A_53 : memref<128x64xi32, #tpu.memory_space<vmem>>)
    %dma_wait3A_59 = arith.constant 128 : i32
    %dma_wait3A_60 = arith.constant 0 : i32
    %dma_wait3A_61 = tpu.memref_slice %arg7[%dma_wait3A_59, %dma_wait3A_60] : memref<640x64xi32, #tpu.memory_space<vmem>> -> memref<128x64xi32, #tpu.memory_space<vmem>>
    %dma_wait3A_62 = arith.constant 128 : i32
    %dma_wait3A_63 = tpu.memref_slice %arg5[%dma_wait3A_62] : memref<640xi32, #tpu.memory_space<vmem>> -> memref<128xi32, #tpu.memory_space<vmem>>
    %dma_wait3A_64 = arith.constant 0 : i32
    %dma_wait3A_65 = arith.constant 0 : i32
    %dma_wait3A_66 = tpu.memref_slice %arg3[%dma_wait3A_64, %dma_wait3A_65] : memref<100000x64xi32, #tpu.memory_space<hbm>> -> memref<100000x64xi32, #tpu.memory_space<hbm>>
    tpu.wait_indirect_dma semaphore(%arg11 : memref<!tpu.dma_semaphore, #tpu.memory_space<semaphore_mem>>) src(%dma_wait3A_66 : memref<100000x64xi32, #tpu.memory_space<hbm>>) dst(%dma_wait3A_61 : memref<128x64xi32, #tpu.memory_space<vmem>>)
    %dma_wait3A_67 = arith.constant 256 : i32
    %dma_wait3A_68 = arith.constant 0 : i32
    %dma_wait3A_69 = tpu.memref_slice %arg7[%dma_wait3A_67, %dma_wait3A_68] : memref<640x64xi32, #tpu.memory_space<vmem>> -> memref<128x64xi32, #tpu.memory_space<vmem>>
    %dma_wait3A_70 = arith.constant 256 : i32
    %dma_wait3A_71 = tpu.memref_slice %arg5[%dma_wait3A_70] : memref<640xi32, #tpu.memory_space<vmem>> -> memref<128xi32, #tpu.memory_space<vmem>>
    %dma_wait3A_72 = arith.constant 0 : i32
    %dma_wait3A_73 = arith.constant 0 : i32
    %dma_wait3A_74 = tpu.memref_slice %arg3[%dma_wait3A_72, %dma_wait3A_73] : memref<100000x64xi32, #tpu.memory_space<hbm>> -> memref<100000x64xi32, #tpu.memory_space<hbm>>
    tpu.wait_indirect_dma semaphore(%arg11 : memref<!tpu.dma_semaphore, #tpu.memory_space<semaphore_mem>>) src(%dma_wait3A_74 : memref<100000x64xi32, #tpu.memory_space<hbm>>) dst(%dma_wait3A_69 : memref<128x64xi32, #tpu.memory_space<vmem>>)
    %dma_wait3A_75 = arith.constant 384 : i32
    %dma_wait3A_76 = arith.constant 0 : i32
    %dma_wait3A_77 = tpu.memref_slice %arg7[%dma_wait3A_75, %dma_wait3A_76] : memref<640x64xi32, #tpu.memory_space<vmem>> -> memref<128x64xi32, #tpu.memory_space<vmem>>
    %dma_wait3A_78 = arith.constant 384 : i32
    %dma_wait3A_79 = tpu.memref_slice %arg5[%dma_wait3A_78] : memref<640xi32, #tpu.memory_space<vmem>> -> memref<128xi32, #tpu.memory_space<vmem>>
    %dma_wait3A_80 = arith.constant 0 : i32
    %dma_wait3A_81 = arith.constant 0 : i32
    %dma_wait3A_82 = tpu.memref_slice %arg3[%dma_wait3A_80, %dma_wait3A_81] : memref<100000x64xi32, #tpu.memory_space<hbm>> -> memref<100000x64xi32, #tpu.memory_space<hbm>>
    tpu.wait_indirect_dma semaphore(%arg11 : memref<!tpu.dma_semaphore, #tpu.memory_space<semaphore_mem>>) src(%dma_wait3A_82 : memref<100000x64xi32, #tpu.memory_space<hbm>>) dst(%dma_wait3A_77 : memref<128x64xi32, #tpu.memory_space<vmem>>)
    %dma_wait3A_83 = arith.constant 512 : i32
    %dma_wait3A_84 = arith.constant 0 : i32
    %dma_wait3A_85 = tpu.memref_slice %arg7[%dma_wait3A_83, %dma_wait3A_84] : memref<640x64xi32, #tpu.memory_space<vmem>> -> memref<128x64xi32, #tpu.memory_space<vmem>>
    %dma_wait3A_86 = arith.constant 512 : i32
    %dma_wait3A_87 = tpu.memref_slice %arg5[%dma_wait3A_86] : memref<640xi32, #tpu.memory_space<vmem>> -> memref<128xi32, #tpu.memory_space<vmem>>
    %dma_wait3A_88 = arith.constant 0 : i32
    %dma_wait3A_89 = arith.constant 0 : i32
    %dma_wait3A_90 = tpu.memref_slice %arg3[%dma_wait3A_88, %dma_wait3A_89] : memref<100000x64xi32, #tpu.memory_space<hbm>> -> memref<100000x64xi32, #tpu.memory_space<hbm>>
    tpu.wait_indirect_dma semaphore(%arg11 : memref<!tpu.dma_semaphore, #tpu.memory_space<semaphore_mem>>) src(%dma_wait3A_90 : memref<100000x64xi32, #tpu.memory_space<hbm>>) dst(%dma_wait3A_85 : memref<128x64xi32, #tpu.memory_space<vmem>>)
    %dma_wait3A_91 = arith.constant 0 : i32
    %dma_wait3A_92 = tpu.memref_slice %arg4[%mul3A_2, %dma_wait3A_91] : memref<10000x128xf32, #tpu.memory_space<hbm>> -> memref<20x128xf32, #tpu.memory_space<hbm>>
    %dma_wait3A_93 = arith.constant 0 : i32
    %dma_wait3A_94 = tpu.memref_slice %arg4[%mul3A_2, %dma_wait3A_93] : memref<10000x128xf32, #tpu.memory_space<hbm>> -> memref<20x128xf32, #tpu.memory_space<hbm>>
    tpu.wait_dma2 semaphore(%arg14 : memref<!tpu.dma_semaphore, #tpu.memory_space<semaphore_mem>>) src(%arg10 : memref<20x128xf32, #tpu.memory_space<vmem>>) dst(%dma_wait3A_94 : memref<20x128xf32, #tpu.memory_space<hbm>>)
    return
  }
}

module attributes {stable_mosaic.version = 14 : i64} {
  func.func @body(%arg0: i32, %arg1: memref<1000x128xf32, #tpu.memory_space<vmem>>, %arg2: memref<1000x128xf32, #tpu.memory_space<vmem>>, %arg3: memref<256x128xf32, #tpu.memory_space<vmem>>, %arg4: memref<1000x128xf32, #tpu.memory_space<vmem>>) attributes {dimension_semantics = [#tpu.dimension_semantics<arbitrary>], iteration_bounds = array<i64: 10>, scalar_prefetch = 0 : i64, scratch_operands = 0 : i64, tpu.core_type = #tpu.core_type<tc>, window_params = [{transform_indices = @transform_0, window_bounds = array<i64: 1000, 128>}, {transform_indices = @transform_1, window_bounds = array<i64: 1000, 128>}, {pipeline_mode = #tpu.pipeline_mode<synchronous>, transform_indices = @transform_2, window_bounds = array<i64: 256, 128>}, {transform_indices = @transform_3, window_bounds = array<i64: 1000, 128>}]} {
    %get3A = arith.constant 0 : index
    %get3A_0 = arith.constant 0 : index
    %get3A_1 = vector.load %arg1[%get3A, %get3A_0] : memref<1000x128xf32, #tpu.memory_space<vmem>>, vector<1000x128xf32>
    %get3A_2 = arith.constant 0 : index
    %get3A_3 = arith.constant 0 : index
    %get3A_4 = vector.load %arg3[%get3A_2, %get3A_3] : memref<256x128xf32, #tpu.memory_space<vmem>>, vector<128x128xf32>
    %dot_general3A = arith.constant dense<0.000000e+00> : vector<1000x128xf32>
    %dot_general3A_5 = tpu.matmul %get3A_1, %get3A_4, %dot_general3A {dimension_numbers = #tpu.dot_dimension_numbers<[1], [0], [0], [1], [0, 0, 1, 1], [], []>, transpose_lhs_hint = false} : vector<1000x128xf32>, vector<128x128xf32>, vector<1000x128xf32> -> vector<1000x128xf32>
    %get3A_6 = arith.constant 0 : index
    %get3A_7 = arith.constant 0 : index
    %get3A_8 = vector.load %arg2[%get3A_6, %get3A_7] : memref<1000x128xf32, #tpu.memory_space<vmem>>, vector<1000x128xf32>
    %get3A_9 = arith.constant 128 : index
    %get3A_10 = arith.constant 0 : index
    %get3A_11 = vector.load %arg3[%get3A_9, %get3A_10] : memref<256x128xf32, #tpu.memory_space<vmem>>, vector<128x128xf32>
    %dot_general3A_12 = arith.constant dense<0.000000e+00> : vector<1000x128xf32>
    %dot_general3A_13 = tpu.matmul %get3A_8, %get3A_11, %dot_general3A_12 {dimension_numbers = #tpu.dot_dimension_numbers<[1], [0], [0], [1], [0, 0, 1, 1], [], []>, transpose_lhs_hint = false} : vector<1000x128xf32>, vector<128x128xf32>, vector<1000x128xf32> -> vector<1000x128xf32>
    %add3A = arith.addf %dot_general3A_5, %dot_general3A_13 : vector<1000x128xf32>
    %max3A = arith.constant 0.000000e+00 : f32
    %max3A_14 = vector.broadcast %max3A : f32 to vector<1000x128xf32>
    %max3A_15 = arith.maximumf %add3A, %max3A_14 : vector<1000x128xf32>
    %swap3A = arith.constant 0 : index
    %swap3A_16 = arith.constant 0 : index
    %swap3A_17 = vector.load %arg4[%swap3A, %swap3A_16] : memref<1000x128xf32, #tpu.memory_space<vmem>>, vector<1000x128xf32>
    tpu.vector_store %arg4[%swap3A, %swap3A_16], %max3A_15 {strides = array<i32>} : memref<1000x128xf32, #tpu.memory_space<vmem>>, vector<1000x128xf32>,
    return
  }
  func.func @transform_0(%arg0: i32) -> (i32, i32) {
    %c0_i32 = arith.constant 0 : i32
    %c0_i32_0 = arith.constant 0 : i32
    return %arg0, %c0_i32 : i32, i32
  }
  func.func @transform_1(%arg0: i32) -> (i32, i32) {
    %c0_i32 = arith.constant 0 : i32
    %c0_i32_0 = arith.constant 0 : i32
    return %arg0, %c0_i32 : i32, i32
  }
  func.func @transform_2(%arg0: i32) -> (i32, i32) {
    %c0_i32 = arith.constant 0 : i32
    %c0_i32_0 = arith.constant 0 : i32
    %c0_i32_1 = arith.constant 0 : i32
    return %c0_i32, %c0_i32_0 : i32, i32
  }
  func.func @transform_3(%arg0: i32) -> (i32, i32) {
    %c0_i32 = arith.constant 0 : i32
    %c0_i32_0 = arith.constant 0 : i32
    return %arg0, %c0_i32 : i32, i32
  }
}

module attributes {stable_mosaic.version = 14 : i64} {
  func.func @body(%arg0: i32, %arg1: memref<5000x128xf32, #tpu.memory_space<vmem>>, %arg2: memref<5000x128xf32, #tpu.memory_space<vmem>>, %arg3: memref<128x128xf32, #tpu.memory_space<vmem>>, %arg4: memref<1x128xf32, #tpu.memory_space<vmem>>, %arg5: memref<5000x128xi32, #tpu.memory_space<vmem>>) attributes {dimension_semantics = [#tpu.dimension_semantics<arbitrary>], iteration_bounds = array<i64: 10>, scalar_prefetch = 0 : i64, scratch_operands = 0 : i64, tpu.core_type = #tpu.core_type<tc>, window_params = [{transform_indices = @transform_0, window_bounds = array<i64: 5000, 128>}, {transform_indices = @transform_1, window_bounds = array<i64: 5000, 128>}, {pipeline_mode = #tpu.pipeline_mode<synchronous>, transform_indices = @transform_2, window_bounds = array<i64: 128, 128>}, {pipeline_mode = #tpu.pipeline_mode<synchronous>, transform_indices = @transform_3, window_bounds = array<i64: 1, 128>}, {transform_indices = @transform_4, window_bounds = array<i64: 5000, 128>}]} {
    %get3A = arith.constant 0 : index
    %get3A_0 = arith.constant 0 : index
    %get3A_1 = vector.load %arg3[%get3A, %get3A_0] : memref<128x128xf32, #tpu.memory_space<vmem>>, vector<128x128xf32>
    %get3A_2 = arith.constant 0 : index
    %get3A_3 = arith.constant 0 : index
    %get3A_4 = vector.load %arg4[%get3A_2, %get3A_3] : memref<1x128xf32, #tpu.memory_space<vmem>>, vector<1x128xf32>
    %get3A_5 = arith.constant 0 : index
    %get3A_6 = arith.constant 0 : index
    %get3A_7 = vector.load %arg1[%get3A_5, %get3A_6] : memref<5000x128xf32, #tpu.memory_space<vmem>>, vector<5000x128xf32>
    %dot_general3A = arith.constant dense<0.000000e+00> : vector<5000x128xf32>
    %dot_general3A_8 = tpu.matmul %get3A_7, %get3A_1, %dot_general3A {dimension_numbers = #tpu.dot_dimension_numbers<[1], [0], [0], [1], [0, 0, 1, 1], [], []>, transpose_lhs_hint = false} : vector<5000x128xf32>, vector<128x128xf32>, vector<5000x128xf32> -> vector<5000x128xf32>
    %add3A = vector.broadcast %get3A_4 : vector<1x128xf32> to vector<5000x128xf32>
    %add3A_9 = arith.addf %dot_general3A_8, %add3A : vector<5000x128xf32>
    %max3A = arith.constant 0.000000e+00 : f32
    %max3A_10 = vector.broadcast %max3A : f32 to vector<5000x128xf32>
    %max3A_11 = arith.maximumf %add3A_9, %max3A_10 : vector<5000x128xf32>
    %get3A_12 = arith.constant 0 : index
    %get3A_13 = arith.constant 0 : index
    %get3A_14 = vector.load %arg2[%get3A_12, %get3A_13] : memref<5000x128xf32, #tpu.memory_space<vmem>>, vector<5000x128xf32>
    %dot_general3A_15 = arith.constant dense<0.000000e+00> : vector<5000x128xf32>
    %dot_general3A_16 = tpu.matmul %get3A_14, %get3A_1, %dot_general3A_15 {dimension_numbers = #tpu.dot_dimension_numbers<[1], [0], [0], [1], [0, 0, 1, 1], [], []>, transpose_lhs_hint = false} : vector<5000x128xf32>, vector<128x128xf32>, vector<5000x128xf32> -> vector<5000x128xf32>
    %add3A_17 = vector.broadcast %get3A_4 : vector<1x128xf32> to vector<5000x128xf32>
    %add3A_18 = arith.addf %dot_general3A_16, %add3A_17 : vector<5000x128xf32>
    %max3A_19 = arith.constant 0.000000e+00 : f32
    %max3A_20 = vector.broadcast %max3A_19 : f32 to vector<5000x128xf32>
    %max3A_21 = arith.maximumf %add3A_18, %max3A_20 : vector<5000x128xf32>
    %slice3A = vector.extract_strided_slice %max3A_11 {offsets = [0, 0], sizes = [5000, 64], strides = [1, 1]} : vector<5000x128xf32> to vector<5000x64xf32>
    %convert_element_type3A = arith.truncf %slice3A : vector<5000x64xf32> to vector<5000x64xbf16>
    %convert_element_type3A_22 = arith.extf %convert_element_type3A : vector<5000x64xbf16> to vector<5000x64xf32>
    %slice3A_23 = vector.extract_strided_slice %max3A_11 {offsets = [0, 64], sizes = [5000, 64], strides = [1, 1]} : vector<5000x128xf32> to vector<5000x64xf32>
    %convert_element_type3A_24 = arith.truncf %slice3A_23 : vector<5000x64xf32> to vector<5000x64xbf16>
    %convert_element_type3A_25 = arith.extf %convert_element_type3A_24 : vector<5000x64xbf16> to vector<5000x64xf32>
    %bitcast_convert_type3A = tpu.bitcast %convert_element_type3A_22 : vector<5000x64xf32> -> vector<5000x64xi32>
    %shift_right_logical3A = arith.constant 16 : i32
    %shift_right_logical3A_26 = vector.broadcast %shift_right_logical3A : i32 to vector<5000x64xi32>
    %shift_right_logical3A_27 = arith.shrui %bitcast_convert_type3A, %shift_right_logical3A_26 : vector<5000x64xi32>
    %bitcast_convert_type3A_28 = tpu.bitcast %convert_element_type3A_25 : vector<5000x64xf32> -> vector<5000x64xi32>
    %and3A = arith.constant -65536 : i32
    %and3A_29 = vector.broadcast %and3A : i32 to vector<5000x64xi32>
    %and3A_30 = arith.andi %bitcast_convert_type3A_28, %and3A_29 : vector<5000x64xi32>
    %or3A = arith.ori %shift_right_logical3A_27, %and3A_30 : vector<5000x64xi32>
    %slice3A_31 = vector.extract_strided_slice %max3A_21 {offsets = [0, 0], sizes = [5000, 64], strides = [1, 1]} : vector<5000x128xf32> to vector<5000x64xf32>
    %convert_element_type3A_32 = arith.truncf %slice3A_31 : vector<5000x64xf32> to vector<5000x64xbf16>
    %convert_element_type3A_33 = arith.extf %convert_element_type3A_32 : vector<5000x64xbf16> to vector<5000x64xf32>
    %slice3A_34 = vector.extract_strided_slice %max3A_21 {offsets = [0, 64], sizes = [5000, 64], strides = [1, 1]} : vector<5000x128xf32> to vector<5000x64xf32>
    %convert_element_type3A_35 = arith.truncf %slice3A_34 : vector<5000x64xf32> to vector<5000x64xbf16>
    %convert_element_type3A_36 = arith.extf %convert_element_type3A_35 : vector<5000x64xbf16> to vector<5000x64xf32>
    %bitcast_convert_type3A_37 = tpu.bitcast %convert_element_type3A_33 : vector<5000x64xf32> -> vector<5000x64xi32>
    %shift_right_logical3A_38 = arith.constant 16 : i32
    %shift_right_logical3A_39 = vector.broadcast %shift_right_logical3A_38 : i32 to vector<5000x64xi32>
    %shift_right_logical3A_40 = arith.shrui %bitcast_convert_type3A_37, %shift_right_logical3A_39 : vector<5000x64xi32>
    %bitcast_convert_type3A_41 = tpu.bitcast %convert_element_type3A_36 : vector<5000x64xf32> -> vector<5000x64xi32>
    %and3A_42 = arith.constant -65536 : i32
    %and3A_43 = vector.broadcast %and3A_42 : i32 to vector<5000x64xi32>
    %and3A_44 = arith.andi %bitcast_convert_type3A_41, %and3A_43 : vector<5000x64xi32>
    %or3A_45 = arith.ori %shift_right_logical3A_40, %and3A_44 : vector<5000x64xi32>
    %concatenate3A = tpu.concatenate %or3A, %or3A_45 in 1 : vector<5000x64xi32>, vector<5000x64xi32> -> vector<5000x128xi32>
    %bitcast_convert_type3A_46 = tpu.bitcast %concatenate3A : vector<5000x128xi32> -> vector<5000x128xi32>
    %swap3A = arith.constant 0 : index
    %swap3A_47 = arith.constant 0 : index
    %swap3A_48 = vector.load %arg5[%swap3A, %swap3A_47] : memref<5000x128xi32, #tpu.memory_space<vmem>>, vector<5000x128xi32>
    tpu.vector_store %arg5[%swap3A, %swap3A_47], %bitcast_convert_type3A_46 {strides = array<i32>} : memref<5000x128xi32, #tpu.memory_space<vmem>>, vector<5000x128xi32>,
    return
  }
  func.func @transform_0(%arg0: i32) -> (i32, i32) {
    %c0_i32 = arith.constant 0 : i32
    %c0_i32_0 = arith.constant 0 : i32
    return %arg0, %c0_i32 : i32, i32
  }
  func.func @transform_1(%arg0: i32) -> (i32, i32) {
    %add3A = arith.constant 10 : i32
    %add3A_0 = arith.addi %arg0, %add3A : i32
    %c0_i32 = arith.constant 0 : i32
    %c0_i32_1 = arith.constant 0 : i32
    return %add3A_0, %c0_i32 : i32, i32
  }
  func.func @transform_2(%arg0: i32) -> (i32, i32) {
    %c0_i32 = arith.constant 0 : i32
    %c0_i32_0 = arith.constant 0 : i32
    %c0_i32_1 = arith.constant 0 : i32
    return %c0_i32, %c0_i32_0 : i32, i32
  }
  func.func @transform_3(%arg0: i32) -> (i32, i32) {
    %c0_i32 = arith.constant 0 : i32
    %c0_i32_0 = arith.constant 0 : i32
    %c0_i32_1 = arith.constant 0 : i32
    return %c0_i32, %c0_i32_0 : i32, i32
  }
  func.func @transform_4(%arg0: i32) -> (i32, i32) {
    %c0_i32 = arith.constant 0 : i32
    %c0_i32_0 = arith.constant 0 : i32
    return %arg0, %c0_i32 : i32, i32
  }
}

</mosaic_0001>

<sc_bundles>
// kernel: kernel.6.cloned.1.call-start
scs
__scs_entry_jumppad:
0x0: {  	(pc) =	sbr.rel $0x88, $3  }
0x1: {  	(tag) =	ssettag $0x0;
	lr =	simm.s32 $0x1  }
0x2: {  	[smem:$0x3F9A] =	sst lr;
	_ =	strace $0xD0000000  }
0x3: {  	_ = 	snop  }
0x4: {  	_ = 	snop  }
0x5: {  	_ = 	snop  }
0x6: {  	_ = 	snop  }
0x7: {  	_ = 	snop  }
__scs_overlays_trampoline_lowered:
0x8: {  	[smem:$0x3FA9] =	sst s0  }
0x9: {  	[smem:$0x3FAA] =	sst s1  }
0xa: {  	[smem:$0x3FAB] =	sst s2  }
0xb: {  	[smem:$0x3FAC] =	sst s3  }
0xc: {  	[smem:$0x3FAD] =	sst s4  }
0xd: {  	[smem:$0x3FAE] =	sst s5  }
0xe: {  	[smem:$0x3FAF] =	sst s6  }
0xf: {  	[smem:$0x3FB0] =	sst s7  }
0x10: {  	[smem:$0x3FB1] =	sst s8  }
0x11: {  	[smem:$0x3FB2] =	sst s9;
	s0 =	simm.s32 @!p0 $0x0  }
0x12: {  	s1 =	sld [smem:$0x3F98];
	s0 =	simm.s32 @p0 $0x1  }
0x13: {  	[smem:$0x3FB3] =	sst s0;
	s0 =	simm.s32 @!p1 $0x0  }
0x14: {  	s2 =	sld [smem:$0x3F97];
	s0 =	simm.s32 @p1 $0x1  }
0x15: {  	[smem:$0x3FB4] =	sst s0;
	s0 =	simm.s32 @!p2 $0x0  }
0x16: {  	s3 =	sld [smem:$0x3FDB];
	s0 =	simm.s32 @p2 $0x1  }
0x17: {  	s4 =	simm.s32 $0x1BF5;
	[smem:$0x3FB6] =	sst s0  }
0x18: {  	s0 =	sld [smem:$0x3F99];
	_ =	swait.ge [sflag:s4], $0x0  }
0x19: {  	s7 =	sld [smem:$0x3F9A]  }
0x1a: {  	s8 =	sadd.s32 $0xFFFFE003, lr  }
0x1b: {  	s9 =	sadd.s32 $0xFFFFFEF7, lr;
	s5 =	simm.s32 $0xFFFFFFFF;
	p2 =	slt.u32 s8, $0xFFFFF086  }
0x1c: {  	p1 =	slt.u32 s9, $0xF7A;
	s5 =	simm.s32 @!p2 $0x0  }
0x1d: {  	s5 =	simm.s32 @p1 $0x1;
	p0 =	seq.s32 s7, s2  }
0x1e: {  	s7 =	smul.u32 @!p0 $0xF7A, s2;
	p2 =	seq.s32 @!p0 s5, $0x0  }
0x1f: {  	s9 =	smul.u32 $0xF7A, s1;
	s8 =	simm.s32 @!p0 $0x1BF5;
	p2 =	por !p2, p0  }
0x20: {  	[sflag:s8] =	ssyncset.s32 @!p0 $0xFFFFF086;
	s6 =	sadd.s32 @!p0 s3, s7;
	s7 =	simm.s32 @!p0 $0x108  }
0x21: {  	s3 =	sadd.s32 s3, s9;
	s6 =	sadd.s32 @!p0 $0x88, s6;
	s7 =	simm.s32 @p2 $0x1082  }
0x22: {  	[simem:s7], [sflag:s8] =	dma.local @!p0 [hbm:s6], $0xF7A  }
0x23: {  	s9 =	sor.u32 $0xD0000000, s2;
	s6 =	simm.s32 $0x108;
	_ =	swait.ge @!p0 [sflag:s8], $0x0  }
0x24: {  	s3 =	sadd.s32 $0x88, s3;
	s6 =	simm.s32 @!p1 $0x1082;
	[sflag:s4] =	ssyncset.s32 $0xFFFFF086  }
0x25: {  	[simem:s6], [sflag:s4] =	dma.local [hbm:s3], $0xF7A  }
0x26: {  	[smem:$0x3F9A] =	sst s1;
	(tag) =	ssettag s2;
	_ =	strace s9  }
0x27: {  	s1 =	sld [smem:$0x3FAA]  }
0x28: {  	s2 =	sld [smem:$0x3FAB]  }
0x29: {  	s4 =	sld [smem:$0x3FAD]  }
0x2a: {  	p0 =	seq.s32 s5, $0x0;
	s5 =	sld [smem:$0x3FAE]  }
0x2b: {  	s6 =	sld [smem:$0x3FAF]  }
0x2c: {  	s7 =	sld [smem:$0x3FB0]  }
0x2d: {  	s3 =	simm.s32 $0x108;
	s8 =	sld [smem:$0x3FB1]  }
0x2e: {  	s3 =	simm.s32 @!p0 $0x1082;
	s9 =	sld [smem:$0x3FB2]  }
0x2f: {  	lr =	sadd.s32 s0, s3;
	s0 =	sld [smem:$0x3FA9]  }
0x30: {  	s3 =	sld [smem:$0x3FAC]  }
0x31: {  	[smem:$0x3FB5] =	sst s10  }
0x32: {  	s10 =	sld [smem:$0x3FB3];
	_ =	sdelay $0x3  }
0x33: {  	p0 =	seq.s32 s10, $0x1;
	s10 =	sld [smem:$0x3FB5];
	_ =	sdelay $0x3  }
0x34: {  	[smem:$0x3FB5] =	sst s10  }
0x35: {  	s10 =	sld [smem:$0x3FB4];
	_ =	sdelay $0x3  }
0x36: {  	p1 =	seq.s32 s10, $0x1;
	s10 =	sld [smem:$0x3FB5];
	_ =	sdelay $0x3  }
0x37: {  	[smem:$0x3FB5] =	sst s10  }
0x38: {  	s10 =	sld [smem:$0x3FB6]  }
0x39: {  	_ = 	snop;
	(pc) =	sbr.ind lr, $3  }
0x3a: {  	_ = 	snop  }
0x3b: {  	_ = 	snop  }
0x3c: {  	p2 =	seq.s32 s10, $0x1;
	s10 =	sld [smem:$0x3FB5]  }
0x3d: {  	_ =	shalt  }
0x3e: {  	_ =	shalt  }
0x3f: {  	_ =	shalt  }
0x40: {  	_ =	shalt  }
0x41: {  	_ =	shalt  }
0x42: {  	_ =	shalt  }
0x43: {  	_ =	shalt  }
0x44: {  	_ =	shalt  }
0x45: {  	_ =	shalt  }
0x46: {  	_ =	shalt  }
0x47: {  	_ =	shalt  }
0x48: {  	_ =	shalt  }
0x49: {  	_ =	shalt  }
0x4a: {  	_ =	shalt  }
0x4b: {  	_ =	shalt  }
0x4c: {  	_ =	shalt  }
0x4d: {  	_ =	shalt  }
0x4e: {  	_ =	shalt  }
0x4f: {  	_ =	shalt  }
0x50: {  	_ =	shalt  }
0x51: {  	_ =	shalt  }
0x52: {  	_ =	shalt  }
0x53: {  	_ =	shalt  }
0x54: {  	_ =	shalt  }
0x55: {  	_ =	shalt  }
0x56: {  	_ =	shalt  }
0x57: {  	_ =	shalt  }
0x58: {  	_ =	shalt  }
0x59: {  	_ =	shalt  }
0x5a: {  	_ =	shalt  }
0x5b: {  	_ =	shalt  }
0x5c: {  	_ =	shalt  }
0x5d: {  	_ =	shalt  }
0x5e: {  	_ =	shalt  }
0x5f: {  	_ =	shalt  }
0x60: {  	_ =	shalt  }
0x61: {  	_ =	shalt  }
0x62: {  	_ =	shalt  }
0x63: {  	_ =	shalt  }
0x64: {  	_ =	shalt  }
0x65: {  	_ =	shalt  }
0x66: {  	_ =	shalt  }
0x67: {  	_ =	shalt  }
0x68: {  	_ =	shalt  }
0x69: {  	_ =	shalt  }
0x6a: {  	_ =	shalt  }
0x6b: {  	_ =	shalt  }
0x6c: {  	_ =	shalt  }
0x6d: {  	_ =	shalt  }
0x6e: {  	_ =	shalt  }
0x6f: {  	_ =	shalt  }
0x70: {  	_ =	shalt  }
0x71: {  	_ =	shalt  }
0x72: {  	_ =	shalt  }
0x73: {  	_ =	shalt  }
0x74: {  	_ =	shalt  }
0x75: {  	_ =	shalt  }
0x76: {  	_ =	shalt  }
0x77: {  	_ =	shalt  }
0x78: {  	_ =	shalt  }
0x79: {  	_ =	shalt  }
0x7a: {  	_ =	shalt  }
0x7b: {  	_ =	shalt  }
0x7c: {  	_ =	shalt  }
0x7d: {  	_ =	shalt  }
0x7e: {  	_ =	shalt  }
0x7f: {  	_ =	shalt  }
0x80: {  	_ =	shalt  }
0x81: {  	_ =	shalt  }
0x82: {  	_ =	shalt  }
0x83: {  	_ =	shalt  }
0x84: {  	_ =	shalt  }
0x85: {  	_ =	shalt  }
0x86: {  	_ =	shalt  }
0x87: {  	_ =	shalt  }
.Lfunc_end0:
.L_simem_size_0:
called_computation_lowered:
.L_overlay_start_0:
0x88: {  	s2 =	sld [smem:$0x3FD9]  }
0x89: {  	s3 =	sld [smem:$0x3FFE];
	_ =	sdelay $0x1  }
0x8a: {  	s1 =	srdreg.scid  }
0x8b: {  	s0 =	sand.u32 $0x1, s1  }
0x8c: {  	s17 =	sshll.u32 s0, $0xA;
	s2 =	sadd.s32 s3, s2  }
0x8d: {  	s2 =	sadd.s32 s2, s17  }
0x8e: {  	[smem:$0x3FC1] =	sst s2  }
0x8f: {  	_ = 	snop  }
0x90: {  	s2 =	sld [smem:$0x3FC9];
	(tm) =	ssettm $0x1  }
0x91: {  	s18 =	sld [smem:$0x3FFB];
	_ =	sdelay $0x3  }
0x92: {  	_ =	strace s18  }
0x93: {  	s3 =	sld [smem:$0x3FFC];
	_ =	sdelay $0x3  }
0x94: {  	_ =	strace s3  }
0x95: {  	s3 =	sld [smem:$0x3FFD];
	_ =	sdelay $0x3  }
0x96: {  	_ =	strace s3  }
0x97: {  	_ =	strace $0x8FFFFFFF  }
0x98: {  	s19 =	sld [smem:$0x3FDB];
	_ =	sdelay $0x1  }
0x99: {  	s4 =	simm.s32 $_scs_section_size  }
0x9a: {  	s5 =	simm.s32 $_size__tile_overlayer_lowered;
	s6 =	simm.s32 $_tile_overlayer_lowered  }
0x9b: {  	s22 =	simm.s32 $0x1BFF;
	s21 =	sshll.u32 s6, $0x1;
	s3 =	sadd.s32 s4, s19  }
0x9c: {  	s7 =	simm.s32 $0x0;
	s20 =	sshll.u32 s5, $0x1;
	s5 =	sadd.s32 s21, s3  }
0x9d: {  	[timem:s7], [sflag:s22] =	dma.local [hbm:s5], s20  }
0x9e: {  	_ =	swait.ge [sflag:s22], s20  }
0x9f: {  	s4 =	ssub.s32 $0x0, s20;
	[sflag:s22] =	ssyncset.done $0x0  }
0xa0: {  	[sflag:s22] =	ssyncadd.s32 s4;
	_ =	sdelay $0x1  }
0xa1: {  	s23 =	simm.s32 $0x1B8B  }
0xa2: {  	_ =	swait.ge [sflag:s23], $0x1  }
0xa3: {  	[sflag:s23] =	ssyncset.done $0x0  }
0xa4: {  	s25 =	simm.s32 $0x1B8E;
	s24 =	sld [smem:$0x3FFE];
	[sflag:s23] =	ssyncadd.s32 $0xFFFFFFFF  }
0xa5: {  	s26 =	simm.s32 $execute0_lowered;
	[smem:$0x3FD2] =	sst s25  }
0xa6: {  	s5 =	sshll.u32 s26, $0x1;
	_ =	strace $0x80000046;
	[dreg:$0x1] =	wrdreg $0xFFFFFFFF  }
0xa7: {  	s28 =	simm.s32 $_size_execute0_lowered;
	s3 =	sadd.s32 s3, s5;
	[dreg:$0x0] =	wrdreg $0x0  }
0xa8: {  	s5 =	sshll.u32 s28, $0x1;
	[dreg:$0x2] =	wrdreg s3  }
0xa9: {  	[dreg:$0x3] =	wrdreg s5  }
0xaa: {  	[dreg:$0x4] =	wrdreg $0xC0  }
0xab: {  	_ =	task [dreg:s7], $0x5FFFF  }
0xac: {  	[dreg:$0x1] =	wrdreg $0xFFFFFFFF  }
0xad: {  	[dreg:$0x0] =	wrdreg $0x60  }
0xae: {  	[dreg:$0x2] =	wrdreg s24  }
0xaf: {  	[dreg:$0x3] =	wrdreg s2  }
0xb0: {  	[dreg:$0x4] =	wrdreg $0x9  }
0xb1: {  	_ =	task.clear_ibuf [dreg:s7], $0x5FFFF;
	_ =	strace $0x90000046  }
0xb2: {  	s29 =	simm.s32 $0x9;
	_ =	strace $0x80000048  }
0xb3: {  	_ =	swait.ge [sflag:s29], $0x1  }
0xb4: {  	[sflag:s29] =	ssyncadd.s32 $0xFFFFFFFF  }
0xb5: {  	_ =	strace $0x90000048  }
0xb6: {  	_ =	sfence  }
0xb7: {  	s30 =	sld [smem:$0x0];
	_ =	sdelay $0x2  }
0xb8: {  	s31 =	sshll.u32 s1, $0xD;
	s1 =	sshrl.u32 s1, $0x2  }
0xb9: {  	s3 =	sand.u32 $0x4000, s31;
	s1 =	sadd.s32 s1, s30  }
0xba: {  	s0 =	sor.u32 s3, s0;
	s1 =	sshll.u32 s1, $0x11  }
0xbb: {  	s0 =	sor.u32 s1, s0  }
0xbc: {  	s0 =	sadd.s32 $0x8F2B, s0  }
0xbd: {  	[sflag:s0] =	ssyncadd.remote.s32 $0x1  }
0xbe: {  	_ =	sfence.sel $0xFFFF  }
0xbf: {  	[dreg:$0x0] =	wrdreg $0xFFFFFFFF;
	(pc) =	sbr.abs _section_cstart, $3  }
0xc0: {  	[dreg:$0x1] =	wrdreg $0xFFFFFFFF  }
0xc1: {  	_ =	task.clear_ibuf [dreg:s7], $0x2FFFF;
	_ =	strace $0x9FFFFFFF  }
0xc2: {  	(tm) =	ssettm $0x7FFFFFFF  }
0xc3: {  	_ =	shalt  }
tec
execute0_lowered:
.L_overlay_start_1:
0x0: {  	(tag) =	ssettag $0x1  }
0x1: {  	s1 =	srdreg.scid;
	s0 =	stileid.u32  }
0x2: {  	s16 =	sand.u32 $0x1, s1;
	s29 =	sshll.u32 s0, $0x1  }
0x3: {  	s1 =	sor.u32 s16, s29  }
0x4: {  	s1 =	smul.u32 $0x140, s1  }
0x5: {  	s17 =	rddreg [dreg:$0x0]  }
0x6: {  	s2 =	rddreg [dreg:$0x1];
	s3 =	simm.s32 $0x0;
	s18 =	smin.u32 s1, $0x25D0  }
0x7: {  	[smem:$0x7FF] =	sst s3;
	s4 =	sshrl.u32 s18, $0x3  }
0x8: {  	s1 =	rddreg [dreg:$0x2];
	s4 =	sadd.s32 s4, s17  }
0x9: {  	_ =	strace $0x80000047;
	s5 =	sadd.s32 $0x1000, s4;
	s4 =	simm.s32 $0x2  }
0xa: {  	[tilespmem:s3], [sflag:$0x2] =	stream.linear.gather [hbm4b:s5+s3], $0x140, $0x38;
	[tilespmem:$0xA140] =	vst v63  }
0xb: {  	_ =	swait.ge [sflag:s4], $0x140  }
0xc: {  	[sflag:s4] =	ssyncset.done $0x0  }
0xd: {  	s6 =	simm.s32 $0x40;
	s7 =	simm.s32 $0x140;
	[sflag:s4] =	ssyncadd.s32 $0xFFFFFEC0  }
0xe: {  	[tilespmem:s7], [sflag:$0x1] =	stream.indirect.gather [hbm4b:s2+s6], $0x80, s3, s6, $0xb8;
	[tilespmem:$0xA140] =	vst v63  }
0xf: {  	s8 =	simm.s32 $0x2140  }
0x10: {  	[tilespmem:s8], [sflag:$0x1] =	stream.indirect.gather [hbm4b:s2+s6], $0x80, s6, s6, $0xb8;
	[tilespmem:$0xA140] =	vst v63  }
0x11: {  	s9 =	simm.s32 $0x80;
	s10 =	simm.s32 $0x4140  }
0x12: {  	[tilespmem:s10], [sflag:$0x1] =	stream.indirect.gather [hbm4b:s2+s6], $0x80, s9, s6, $0xb8;
	[tilespmem:$0xA140] =	vst v63  }
0x13: {  	s11 =	simm.s32 $0xC0;
	s12 =	simm.s32 $0x6140  }
0x14: {  	[tilespmem:s12], [sflag:$0x1] =	stream.indirect.gather [hbm4b:s2+s6], $0x80, s11, s6, $0xb8;
	[tilespmem:$0xA140] =	vst v63  }
0x15: {  	s13 =	simm.s32 $0x100;
	s14 =	simm.s32 $0x8140;
	s15 =	simm.s32 $0x1  }
0x16: {  	[tilespmem:s14], [sflag:$0x1] =	stream.indirect.gather [hbm4b:s2+s6], $0x80, s13, s6, $0xb8;
	[tilespmem:$0xA140] =	vst v63  }
0x17: {  	_ =	swait.ge [sflag:s15], $0x2000  }
0x18: {  	[sflag:s15] =	ssyncset.done $0x0  }
0x19: {  	[sflag:s15] =	ssyncadd.s32 $0xFFFFE000  }
0x1a: {  	_ =	swait.ge [sflag:s15], $0x2000  }
0x1b: {  	[sflag:s15] =	ssyncset.done $0x0  }
0x1c: {  	[sflag:s15] =	ssyncadd.s32 $0xFFFFE000  }
0x1d: {  	_ =	swait.ge [sflag:s15], $0x2000  }
0x1e: {  	[sflag:s15] =	ssyncset.done $0x0  }
0x1f: {  	s16 =	ssub.s32 $0x2, s16;
	[sflag:s15] =	ssyncadd.s32 $0xFFFFE000  }
0x20: {  	s19 =	sshrl.u32 s16, $0x1;
	_ =	swait.ge [sflag:s15], $0x2000  }
0x21: {  	s30 =	ssub.s32 s16, s19;
	[sflag:s15] =	ssyncset.done $0x0  }
0x22: {  	s31 =	smax.u32 s30, $0x1;
	[sflag:s15] =	ssyncadd.s32 $0xFFFFE000  }
0x23: {  	s18 =	sshll.u32 s18, $0x4;
	p0 =	sne.s32 s31, $0x1;
	_ =	swait.ge [sflag:s15], $0x2000  }
.Ltmp0:
0x24: {  	s17 =	sadd.s32 s18, s17;
	[sflag:s15] =	ssyncset.done $0x0;
	(pc) =	sbr.rel @!p0 .LBB2_2-.Ltmp0, $4  }
0x25: {  	s16 =	sadd.s32 $0x1600, s17;
	[sflag:s15] =	ssyncadd.s32 $0xFFFFE000  }
0x26: {  	[hbm4b:s16+s3] =	stream.linear.scatter [tilespmem:s7], [sflag:$0x2], $0xA000, $0x38;
	[tilespmem:$0xA140] =	vst v63  }
0x27: {  	_ =	swait.ge [sflag:s4], $0xA000  }
0x28: {  	s17 =	sadd.s32 $0xFFFFFFFF, s31;
	[sflag:s4] =	ssyncset.done $0x0  }
.LBB2_1:
0x29: {  	p0 =	sne.s32 s17, $0x1;
	s17 =	sadd.s32 $0xFFFFFFFF, s17;
	[sflag:s4] =	ssyncadd.s32 $0xFFFF6000  }
0x2a: {  	[tilespmem:s3], [sflag:$0x2] =	stream.linear.gather [hbm4b:s5+s3], $0x140, $0x38;
	[tilespmem:$0xA140] =	vst v63  }
0x2b: {  	_ =	swait.ge [sflag:s4], $0x140  }
0x2c: {  	[sflag:s4] =	ssyncset.done $0x0  }
0x2d: {  	[sflag:s4] =	ssyncadd.s32 $0xFFFFFEC0  }
0x2e: {  	[tilespmem:s7], [sflag:$0x1] =	stream.indirect.gather [hbm4b:s2+s6], $0x80, s3, s6, $0xb8;
	[tilespmem:$0xA140] =	vst v63  }
0x2f: {  	_ = 	snop  }
0x30: {  	[tilespmem:s8], [sflag:$0x1] =	stream.indirect.gather [hbm4b:s2+s6], $0x80, s6, s6, $0xb8;
	[tilespmem:$0xA140] =	vst v63  }
0x31: {  	_ = 	snop  }
0x32: {  	[tilespmem:s10], [sflag:$0x1] =	stream.indirect.gather [hbm4b:s2+s6], $0x80, s9, s6, $0xb8;
	[tilespmem:$0xA140] =	vst v63  }
0x33: {  	_ = 	snop  }
0x34: {  	[tilespmem:s12], [sflag:$0x1] =	stream.indirect.gather [hbm4b:s2+s6], $0x80, s11, s6, $0xb8;
	[tilespmem:$0xA140] =	vst v63  }
0x35: {  	_ = 	snop  }
0x36: {  	[tilespmem:s14], [sflag:$0x1] =	stream.indirect.gather [hbm4b:s2+s6], $0x80, s13, s6, $0xb8;
	[tilespmem:$0xA140] =	vst v63  }
0x37: {  	_ =	swait.ge [sflag:s15], $0x2000  }
0x38: {  	[sflag:s15] =	ssyncset.done $0x0  }
0x39: {  	[sflag:s15] =	ssyncadd.s32 $0xFFFFE000  }
0x3a: {  	_ =	swait.ge [sflag:s15], $0x2000  }
0x3b: {  	[sflag:s15] =	ssyncset.done $0x0  }
0x3c: {  	[sflag:s15] =	ssyncadd.s32 $0xFFFFE000  }
0x3d: {  	_ =	swait.ge [sflag:s15], $0x2000  }
0x3e: {  	[sflag:s15] =	ssyncset.done $0x0  }
0x3f: {  	[sflag:s15] =	ssyncadd.s32 $0xFFFFE000  }
0x40: {  	_ =	swait.ge [sflag:s15], $0x2000  }
0x41: {  	[sflag:s15] =	ssyncset.done $0x0  }
0x42: {  	[sflag:s15] =	ssyncadd.s32 $0xFFFFE000  }
0x43: {  	_ =	swait.ge [sflag:s15], $0x2000  }
.Ltmp1:
0x44: {  	[sflag:s15] =	ssyncset.done $0x0;
	(pc) =	sbr.rel @p0 .LBB2_1-.Ltmp1, $4  }
0x45: {  	[sflag:s15] =	ssyncadd.s32 $0xFFFFE000  }
0x46: {  	[hbm4b:s16+s3] =	stream.linear.scatter [tilespmem:s7], [sflag:$0x2], $0xA000, $0x38;
	[tilespmem:$0xA140] =	vst v63  }
0x47: {  	_ =	swait.ge [sflag:s4], $0xA000  }
0x48: {  	[sflag:s4] =	ssyncset.done $0x0  }
.LBB2_2:
0x49: {  	[sflag:s4] =	ssyncadd.s32 $0xFFFF6000  }
0x4a: {  	_ =	sfence.sel $0x180000  }
0x4b: {  	[bflag:$0x0] =	sbarrier.arrive $0xFFFF  }
0x4c: {  	p0 =	sne.s32 s0, $0x0;
	_ =	strace $0x90000047  }
0x4d: {  	s0 =	sadd.s32 @!p0 $0x100000, s1;
	[bflag:$0x2] =	sbarrier.arrive $0xFFFF  }
0x4e: {  	[sflag:s0] =	ssyncadd.tile.s32 @!p0 $0x1;
	_ =	shalt  }
.Lfunc_end2:
_tile_overlayer_lowered:
.L_overlay_start_2:
0x4f: {  	(tag) =	ssettag $0x2  }
0x50: {  	s0 =	rddreg [dreg:$0x0];
	s2 =	stileid.u32  }
0x51: {  	s1 =	rddreg [dreg:$0x1];
	p0 =	sne.s32 s2, $0x0  }
0x52: {  	s3 =	rddreg [dreg:$0x2];
	[bflag:$0x3] =	sbarrier.arrive $0xFFFF;
	s2 =	simm.s32 @!p0 $0x1C02  }
0x53: {  	[timem:s3], [sflag:s2] =	dma.local @!p0 [hbm:s0], s1  }
0x54: {  	s0 =	simm.s32 @!p0 $0x2  }
0x55: {  	_ =	swait.ge @!p0 [sflag:s0], s1  }
0x56: {  	s1 =	ssub.s32 @!p0 $0x0, s1;
	[sflag:s0] =	ssyncset.done @!p0 $0x0  }
0x57: {  	[sflag:s0] =	ssyncadd.s32 @!p0 s1  }
0x58: {  	[bflag:$0x3] =	sbarrier.arrive $0xFFFF  }
0x59: {  	_ =	shalt  }

// kernel: kernel.9.cloned.1.call-start
scs
__scs_entry_jumppad:
0x0: {  	(pc) =	sbr.rel $0x88, $3  }
0x1: {  	(tag) =	ssettag $0x0;
	lr =	simm.s32 $0x1  }
0x2: {  	[smem:$0x3F9A] =	sst lr;
	_ =	strace $0xD0000000  }
0x3: {  	_ = 	snop  }
0x4: {  	_ = 	snop  }
0x5: {  	_ = 	snop  }
0x6: {  	_ = 	snop  }
0x7: {  	_ = 	snop  }
__scs_overlays_trampoline_lowered:
0x8: {  	[smem:$0x3FA9] =	sst s0  }
0x9: {  	[smem:$0x3FAA] =	sst s1  }
0xa: {  	[smem:$0x3FAB] =	sst s2  }
0xb: {  	[smem:$0x3FAC] =	sst s3  }
0xc: {  	[smem:$0x3FAD] =	sst s4  }
0xd: {  	[smem:$0x3FAE] =	sst s5  }
0xe: {  	[smem:$0x3FAF] =	sst s6  }
0xf: {  	[smem:$0x3FB0] =	sst s7  }
0x10: {  	[smem:$0x3FB1] =	sst s8  }
0x11: {  	[smem:$0x3FB2] =	sst s9;
	s0 =	simm.s32 @!p0 $0x0  }
0x12: {  	s1 =	sld [smem:$0x3F98];
	s0 =	simm.s32 @p0 $0x1  }
0x13: {  	[smem:$0x3FB3] =	sst s0;
	s0 =	simm.s32 @!p1 $0x0  }
0x14: {  	s2 =	sld [smem:$0x3F97];
	s0 =	simm.s32 @p1 $0x1  }
0x15: {  	[smem:$0x3FB4] =	sst s0;
	s0 =	simm.s32 @!p2 $0x0  }
0x16: {  	s3 =	sld [smem:$0x3FDB];
	s0 =	simm.s32 @p2 $0x1  }
0x17: {  	s4 =	simm.s32 $0x1BF5;
	[smem:$0x3FB6] =	sst s0  }
0x18: {  	s0 =	sld [smem:$0x3F99];
	_ =	swait.ge [sflag:s4], $0x0  }
0x19: {  	s7 =	sld [smem:$0x3F9A]  }
0x1a: {  	s8 =	sadd.s32 $0xFFFFE003, lr  }
0x1b: {  	s9 =	sadd.s32 $0xFFFFFEF7, lr;
	s5 =	simm.s32 $0xFFFFFFFF;
	p2 =	slt.u32 s8, $0xFFFFF086  }
0x1c: {  	p1 =	slt.u32 s9, $0xF7A;
	s5 =	simm.s32 @!p2 $0x0  }
0x1d: {  	s5 =	simm.s32 @p1 $0x1;
	p0 =	seq.s32 s7, s2  }
0x1e: {  	s7 =	smul.u32 @!p0 $0xF7A, s2;
	p2 =	seq.s32 @!p0 s5, $0x0  }
0x1f: {  	s9 =	smul.u32 $0xF7A, s1;
	s8 =	simm.s32 @!p0 $0x1BF5;
	p2 =	por !p2, p0  }
0x20: {  	[sflag:s8] =	ssyncset.s32 @!p0 $0xFFFFF086;
	s6 =	sadd.s32 @!p0 s3, s7;
	s7 =	simm.s32 @!p0 $0x108  }
0x21: {  	s3 =	sadd.s32 s3, s9;
	s6 =	sadd.s32 @!p0 $0x88, s6;
	s7 =	simm.s32 @p2 $0x1082  }
0x22: {  	[simem:s7], [sflag:s8] =	dma.local @!p0 [hbm:s6], $0xF7A  }
0x23: {  	s9 =	sor.u32 $0xD0000000, s2;
	s6 =	simm.s32 $0x108;
	_ =	swait.ge @!p0 [sflag:s8], $0x0  }
0x24: {  	s3 =	sadd.s32 $0x88, s3;
	s6 =	simm.s32 @!p1 $0x1082;
	[sflag:s4] =	ssyncset.s32 $0xFFFFF086  }
0x25: {  	[simem:s6], [sflag:s4] =	dma.local [hbm:s3], $0xF7A  }
0x26: {  	[smem:$0x3F9A] =	sst s1;
	(tag) =	ssettag s2;
	_ =	strace s9  }
0x27: {  	s1 =	sld [smem:$0x3FAA]  }
0x28: {  	s2 =	sld [smem:$0x3FAB]  }
0x29: {  	s4 =	sld [smem:$0x3FAD]  }
0x2a: {  	p0 =	seq.s32 s5, $0x0;
	s5 =	sld [smem:$0x3FAE]  }
0x2b: {  	s6 =	sld [smem:$0x3FAF]  }
0x2c: {  	s7 =	sld [smem:$0x3FB0]  }
0x2d: {  	s3 =	simm.s32 $0x108;
	s8 =	sld [smem:$0x3FB1]  }
0x2e: {  	s3 =	simm.s32 @!p0 $0x1082;
	s9 =	sld [smem:$0x3FB2]  }
0x2f: {  	lr =	sadd.s32 s0, s3;
	s0 =	sld [smem:$0x3FA9]  }
0x30: {  	s3 =	sld [smem:$0x3FAC]  }
0x31: {  	[smem:$0x3FB5] =	sst s10  }
0x32: {  	s10 =	sld [smem:$0x3FB3];
	_ =	sdelay $0x3  }
0x33: {  	p0 =	seq.s32 s10, $0x1;
	s10 =	sld [smem:$0x3FB5];
	_ =	sdelay $0x3  }
0x34: {  	[smem:$0x3FB5] =	sst s10  }
0x35: {  	s10 =	sld [smem:$0x3FB4];
	_ =	sdelay $0x3  }
0x36: {  	p1 =	seq.s32 s10, $0x1;
	s10 =	sld [smem:$0x3FB5];
	_ =	sdelay $0x3  }
0x37: {  	[smem:$0x3FB5] =	sst s10  }
0x38: {  	s10 =	sld [smem:$0x3FB6]  }
0x39: {  	_ = 	snop;
	(pc) =	sbr.ind lr, $3  }
0x3a: {  	_ = 	snop  }
0x3b: {  	_ = 	snop  }
0x3c: {  	p2 =	seq.s32 s10, $0x1;
	s10 =	sld [smem:$0x3FB5]  }
0x3d: {  	_ =	shalt  }
0x3e: {  	_ =	shalt  }
0x3f: {  	_ =	shalt  }
0x40: {  	_ =	shalt  }
0x41: {  	_ =	shalt  }
0x42: {  	_ =	shalt  }
0x43: {  	_ =	shalt  }
0x44: {  	_ =	shalt  }
0x45: {  	_ =	shalt  }
0x46: {  	_ =	shalt  }
0x47: {  	_ =	shalt  }
0x48: {  	_ =	shalt  }
0x49: {  	_ =	shalt  }
0x4a: {  	_ =	shalt  }
0x4b: {  	_ =	shalt  }
0x4c: {  	_ =	shalt  }
0x4d: {  	_ =	shalt  }
0x4e: {  	_ =	shalt  }
0x4f: {  	_ =	shalt  }
0x50: {  	_ =	shalt  }
0x51: {  	_ =	shalt  }
0x52: {  	_ =	shalt  }
0x53: {  	_ =	shalt  }
0x54: {  	_ =	shalt  }
0x55: {  	_ =	shalt  }
0x56: {  	_ =	shalt  }
0x57: {  	_ =	shalt  }
0x58: {  	_ =	shalt  }
0x59: {  	_ =	shalt  }
0x5a: {  	_ =	shalt  }
0x5b: {  	_ =	shalt  }
0x5c: {  	_ =	shalt  }
0x5d: {  	_ =	shalt  }
0x5e: {  	_ =	shalt  }
0x5f: {  	_ =	shalt  }
0x60: {  	_ =	shalt  }
0x61: {  	_ =	shalt  }
0x62: {  	_ =	shalt  }
0x63: {  	_ =	shalt  }
0x64: {  	_ =	shalt  }
0x65: {  	_ =	shalt  }
0x66: {  	_ =	shalt  }
0x67: {  	_ =	shalt  }
0x68: {  	_ =	shalt  }
0x69: {  	_ =	shalt  }
0x6a: {  	_ =	shalt  }
0x6b: {  	_ =	shalt  }
0x6c: {  	_ =	shalt  }
0x6d: {  	_ =	shalt  }
0x6e: {  	_ =	shalt  }
0x6f: {  	_ =	shalt  }
0x70: {  	_ =	shalt  }
0x71: {  	_ =	shalt  }
0x72: {  	_ =	shalt  }
0x73: {  	_ =	shalt  }
0x74: {  	_ =	shalt  }
0x75: {  	_ =	shalt  }
0x76: {  	_ =	shalt  }
0x77: {  	_ =	shalt  }
0x78: {  	_ =	shalt  }
0x79: {  	_ =	shalt  }
0x7a: {  	_ =	shalt  }
0x7b: {  	_ =	shalt  }
0x7c: {  	_ =	shalt  }
0x7d: {  	_ =	shalt  }
0x7e: {  	_ =	shalt  }
0x7f: {  	_ =	shalt  }
0x80: {  	_ =	shalt  }
0x81: {  	_ =	shalt  }
0x82: {  	_ =	shalt  }
0x83: {  	_ =	shalt  }
0x84: {  	_ =	shalt  }
0x85: {  	_ =	shalt  }
0x86: {  	_ =	shalt  }
0x87: {  	_ =	shalt  }
.Lfunc_end0:
.L_simem_size_0:
called_computation.1_lowered:
.L_overlay_start_0:
0x88: {  	s2 =	sld [smem:$0x3FD9]  }
0x89: {  	s3 =	sld [smem:$0x3FFE];
	_ =	sdelay $0x1  }
0x8a: {  	s1 =	srdreg.scid  }
0x8b: {  	s0 =	sand.u32 $0x1, s1  }
0x8c: {  	s15 =	sshll.u32 s0, $0xA;
	s2 =	sadd.s32 s3, s2  }
0x8d: {  	s2 =	sadd.s32 s2, s15  }
0x8e: {  	[smem:$0x3FC1] =	sst s2  }
0x8f: {  	_ = 	snop  }
0x90: {  	s2 =	sld [smem:$0x3FD0];
	_ =	sdelay $0x2  }
0x91: {  	s4 =	simm.s32 $0xB;
	s16 =	simm.s32 $0x10  }
0x92: {  	[smem:s16], [sflag:s4] =	dma.local [hbm:s2], $0x1  }
0x93: {  	_ =	swait.eq [sflag:s4], $0x1  }
0x94: {  	[sflag:s4] =	ssyncset.done $0x0  }
0x95: {  	s17 =	sld [smem:$0x10];
	[sflag:s4] =	ssyncadd.s32 $0xFFFFFFFF  }
0x96: {  	s18 =	sld [smem:$0x11];
	(tm) =	ssettm $0x1  }
0x97: {  	s19 =	sld [smem:$0x3FFB];
	_ =	sdelay $0x3  }
0x98: {  	_ =	strace s19  }
0x99: {  	s2 =	sld [smem:$0x3FFC];
	_ =	sdelay $0x3  }
0x9a: {  	_ =	strace s2  }
0x9b: {  	s2 =	sld [smem:$0x3FFD];
	_ =	sdelay $0x3  }
0x9c: {  	_ =	strace s2  }
0x9d: {  	_ =	strace $0x8FFFFFFF  }
0x9e: {  	s20 =	sld [smem:$0x3FDB];
	_ =	sdelay $0x1  }
0x9f: {  	s5 =	simm.s32 $_scs_section_size  }
0xa0: {  	s6 =	simm.s32 $_size__tile_overlayer_lowered;
	s7 =	simm.s32 $_tile_overlayer_lowered  }
0xa1: {  	s8 =	simm.s32 $0x1BFF;
	s21 =	sshll.u32 s7, $0x1;
	s5 =	sadd.s32 s5, s20  }
0xa2: {  	s22 =	simm.s32 $0x0;
	s6 =	sshll.u32 s6, $0x1;
	s7 =	sadd.s32 s21, s5  }
0xa3: {  	[timem:s22], [sflag:s8] =	dma.local [hbm:s7], s6  }
0xa4: {  	_ =	swait.ge [sflag:s8], s6  }
0xa5: {  	s6 =	ssub.s32 $0x0, s6;
	[sflag:s8] =	ssyncset.done $0x0  }
0xa6: {  	[sflag:s8] =	ssyncadd.s32 s6;
	_ =	sdelay $0x1  }
0xa7: {  	s23 =	simm.s32 $0x1B8B  }
0xa8: {  	_ =	swait.ge [sflag:s23], $0x1  }
0xa9: {  	[sflag:s23] =	ssyncset.done $0x0  }
0xaa: {  	[sflag:s23] =	ssyncadd.s32 $0xFFFFFFFF  }
0xab: {  	s6 =	sld [smem:$0x0]  }
0xac: {  	s7 =	sand.u32 $0xFFFFFFFE, s1  }
0xad: {  	p0 =	sne.s32 s1, s7  }
0xae: {  	s7 =	sshll.u32 @p0 s7, $0xE  }
0xaf: {  	s7 =	sadd.s32 @p0 $0x11B8D, s7;
	s8 =	sshll.u32 @p0 s6, $0x11  }
0xb0: {  	s7 =	sor.u32 @p0 s8, s7  }
0xb1: {  	[sflag:s7] =	ssyncadd.remote.s32 @p0 $0x1;
	_ =	sdelay $0x1  }
0xb2: {  	s7 =	simm.s32 @p0 $0x1B8D  }
0xb3: {  	_ =	swait.eq @p0 [sflag:s7], $0x1  }
0xb4: {  	[sflag:s7] =	ssyncadd.s32 @p0 $0xFFFFFFFF  }
0xb5: {  	s8 =	sshll.u32 @!p0 s1, $0xE  }
0xb6: {  	s8 =	sor.u32 @!p0 $0x4000, s8;
	s7 =	simm.s32 @!p0 $0x1B8D  }
0xb7: {  	s6 =	sshll.u32 @!p0 s6, $0x11;
	s8 =	sadd.s32 @!p0 $0x11B8D, s8;
	_ =	swait.eq @!p0 [sflag:s7], $0x1  }
0xb8: {  	s6 =	sor.u32 @!p0 s6, s8;
	[sflag:s7] =	ssyncadd.s32 @!p0 $0xFFFFFFFF  }
0xb9: {  	s25 =	simm.s32 $0x1B8E;
	s24 =	sld [smem:$0x3FFE];
	[sflag:s6] =	ssyncadd.remote.s32 @!p0 $0x1  }
0xba: {  	s26 =	simm.s32 $execute0_lowered;
	[smem:$0x3FD2] =	sst s25  }
0xbb: {  	s7 =	sshll.u32 s26, $0x1;
	_ =	strace $0x80000049;
	[dreg:$0x1] =	wrdreg $0xFFFFFFFF  }
0xbc: {  	s28 =	simm.s32 $_size_execute0_lowered;
	s5 =	sadd.s32 s5, s7;
	[dreg:$0x0] =	wrdreg $0x0  }
0xbd: {  	s7 =	sshll.u32 s28, $0x1;
	[dreg:$0x2] =	wrdreg s5  }
0xbe: {  	[dreg:$0x3] =	wrdreg s7  }
0xbf: {  	[dreg:$0x4] =	wrdreg $0xC0  }
0xc0: {  	_ =	task [dreg:s22], $0x5FFFF  }
0xc1: {  	[dreg:$0x1] =	wrdreg $0xFFFFFFFF  }
0xc2: {  	[dreg:$0x0] =	wrdreg $0x60  }
0xc3: {  	[dreg:$0x2] =	wrdreg s24  }
0xc4: {  	[dreg:$0x3] =	wrdreg s18  }
0xc5: {  	[dreg:$0x4] =	wrdreg s17  }
0xc6: {  	[dreg:$0x5] =	wrdreg $0xA  }
0xc7: {  	_ =	task.clear_ibuf [dreg:s22], $0x6FFFF;
	_ =	strace $0x90000049  }
0xc8: {  	s29 =	simm.s32 $0xA;
	_ =	strace $0x8000004B  }
0xc9: {  	_ =	swait.ge [sflag:s29], $0x1  }
0xca: {  	[sflag:s29] =	ssyncadd.s32 $0xFFFFFFFF  }
0xcb: {  	_ =	strace $0x9000004B  }
0xcc: {  	_ =	sfence  }
0xcd: {  	s30 =	sld [smem:$0x0];
	_ =	sdelay $0x2  }
0xce: {  	s31 =	sshll.u32 s1, $0xD;
	s1 =	sshrl.u32 s1, $0x2  }
0xcf: {  	s4 =	sand.u32 $0x4000, s31;
	s1 =	sadd.s32 s1, s30  }
0xd0: {  	s0 =	sor.u32 s4, s0;
	s1 =	sshll.u32 s1, $0x11  }
0xd1: {  	s0 =	sor.u32 s1, s0  }
0xd2: {  	s0 =	sadd.s32 $0x8F2B, s0  }
0xd3: {  	[sflag:s0] =	ssyncadd.remote.s32 $0x1  }
0xd4: {  	_ =	sfence.sel $0xFFFF  }
0xd5: {  	[dreg:$0x0] =	wrdreg $0xFFFFFFFF;
	(pc) =	sbr.abs _section_cstart, $3  }
0xd6: {  	[dreg:$0x1] =	wrdreg $0xFFFFFFFF  }
0xd7: {  	_ =	task.clear_ibuf [dreg:s22], $0x2FFFF;
	_ =	strace $0x9FFFFFFF  }
0xd8: {  	(tm) =	ssettm $0x7FFFFFFF  }
0xd9: {  	_ =	shalt  }
tec
execute0_lowered:
.L_overlay_start_1:
0x0: {  	(tag) =	ssettag $0x1  }
0x1: {  	s0 =	rddreg [dreg:$0x0]  }
0x2: {  	s2 =	rddreg [dreg:$0x1]  }
0x3: {  	s1 =	srdreg.scid;
	s4 =	stileid.u32  }
0x4: {  	s3 =	rddreg [dreg:$0x2];
	s11 =	simm.s32 $0x5;
	s12 =	simm.s32 $0x80  }
0x5: {  	s13 =	simm.s32 $0x500;
	s14 =	simm.s32 $0x2500;
	s15 =	simm.s32 $0x100  }
0x6: {  	s16 =	simm.s32 $0x4500;
	s17 =	simm.s32 $0x180;
	s18 =	simm.s32 $0x6500  }
0x7: {  	s19 =	simm.s32 $0x200;
	s20 =	simm.s32 $0x8500;
	s21 =	simm.s32 $0x280  }
0x8: {  	s10 =	simm.s32 $0x2;
	s1 =	sand.u32 $0x1, s1;
	s5 =	sshll.u32 s4, $0x1  }
0x9: {  	s22 =	simm.s32 $0x14F00;
	s25 =	simm.s32 $0x0;
	s6 =	sor.u32 s1, s5  }
0xa: {  	s4 =	simm.s32 $0x0;
	s1 =	ssub.s32 $0x2, s1;
	s7 =	smul.u32 $0x500, s6  }
0xb: {  	[smem:$0x7FF] =	sst s4;
	s30 =	sshrl.u32 s1, $0x1;
	s6 =	smul.u32 $0x140, s6  }
0xc: {  	s5 =	sadd.s32 $0x28800, s0;
	_ =	strace $0x8000004A;
	s0 =	ssub.s32 s1, s30  }
0xd: {  	s1 =	simm.s32 $0x1;
	s31 =	sadd.s32 s5, s7;
	s8 =	sor.u32 $0x14, s6  }
0xe: {  	s9 =	sor.u32 $0x28, s6;
	s0 =	smax.u32 s0, $0x1;
	[dreg:$0x4] =	wrdreg s31  }
0xf: {  	s7 =	simm.s32 $0x3;
	[dreg:$0x5] =	wrdreg s0;
	s0 =	simm.s32 $0x14500  }
.LBB2_1:
0x10: {  	[dreg:$0x6] =	wrdreg s25  }
0x11: {  	s23 =	rddreg [dreg:$0x4]  }
0x12: {  	[tilespmem:s4], [sflag:$0x5] =	stream.linear.gather [hbm4b:s23+s4], $0x280, $0x38;
	[tilespmem:$0x15900] =	vst v63  }
0x13: {  	_ =	swait.ge [sflag:s11], $0x280  }
0x14: {  	[sflag:s11] =	ssyncset.done $0x0  }
0x15: {  	[sflag:s11] =	ssyncadd.s32 $0xFFFFFD80  }
0x16: {  	[tilespmem:s13], [sflag:$0x1] =	stream.indirect.gather [hbm4b:s2+s12], $0x40, s4, s12, $0xb8;
	[tilespmem:$0x15900] =	vst v63  }
0x17: {  	_ = 	snop  }
0x18: {  	[tilespmem:s14], [sflag:$0x1] =	stream.indirect.gather [hbm4b:s2+s12], $0x40, s12, s12, $0xb8;
	[tilespmem:$0x15900] =	vst v63  }
0x19: {  	_ = 	snop  }
0x1a: {  	[tilespmem:s16], [sflag:$0x1] =	stream.indirect.gather [hbm4b:s2+s12], $0x40, s15, s12, $0xb8;
	[tilespmem:$0x15900] =	vst v63  }
0x1b: {  	_ = 	snop  }
0x1c: {  	[tilespmem:s18], [sflag:$0x1] =	stream.indirect.gather [hbm4b:s2+s12], $0x40, s17, s12, $0xb8;
	[tilespmem:$0x15900] =	vst v63  }
0x1d: {  	s23 =	simm.s32 $0x0  }
0x1e: {  	[tilespmem:s20], [sflag:$0x1] =	stream.indirect.gather [hbm4b:s2+s12], $0x40, s19, s12, $0xb8;
	[tilespmem:$0x15900] =	vst v63  }
.LBB2_2:
0x1f: {  	s25 =	smul.u32 $0x28, s23;
	_ =	sdelay $0x1  }
0x20: {  	s24 =	sadd.s32 s25, s8  }
0x21: {  	p0 =	slt.s32 s24, $0x26FC  }
0x22: {  	s24 =	simm.s32 @!p0 $0x26FC  }
0x23: {  	s26 =	sshll.u32 s24, $0x2  }
0x24: {  	s26 =	sadd.s32 s5, s26  }
0x25: {  	[tilespmem:s21], [sflag:$0x5] =	stream.linear.gather [hbm4b:s26+s4], $0x280, $0x38;
	[tilespmem:$0x15900] =	vst v63  }
0x26: {  	_ =	swait.ge [sflag:s11], $0x280  }
0x27: {  	p0 =	seq.s32 s23, $0x0;
	[sflag:s11] =	ssyncset.done $0x0  }
0x28: {  	s26 =	simm.s32 @!p0 $0x4;
	[sflag:s11] =	ssyncadd.s32 $0xFFFFFD80  }
0x29: {  	_ =	swait.ge @!p0 [sflag:s26], $0xA00  }
0x2a: {  	[sflag:s26] =	ssyncset.done @!p0 $0x0  }
0x2b: {  	s30 =	simm.s32 $0xA500;
	[sflag:s26] =	ssyncadd.s32 @!p0 $0xFFFFF600  }
0x2c: {  	[tilespmem:s30], [sflag:$0x2] =	stream.indirect.gather [hbm4b:s2+s12], $0x40, s21, s12, $0xb8;
	[tilespmem:$0x15900] =	vst v63  }
0x2d: {  	s31 =	simm.s32 $0x300;
	s28 =	simm.s32 $0xC500  }
0x2e: {  	[tilespmem:s28], [sflag:$0x2] =	stream.indirect.gather [hbm4b:s2+s12], $0x40, s31, s12, $0xb8;
	[tilespmem:$0x15900] =	vst v63  }
0x2f: {  	s29 =	simm.s32 $0x380;
	s28 =	simm.s32 $0xE500  }
0x30: {  	[tilespmem:s28], [sflag:$0x2] =	stream.indirect.gather [hbm4b:s2+s12], $0x40, s29, s12, $0xb8;
	[tilespmem:$0x15900] =	vst v63  }
0x31: {  	s30 =	simm.s32 $0x400;
	s28 =	simm.s32 $0x10500  }
0x32: {  	[tilespmem:s28], [sflag:$0x2] =	stream.indirect.gather [hbm4b:s2+s12], $0x40, s30, s12, $0xb8;
	[tilespmem:$0x15900] =	vst v63  }
0x33: {  	s31 =	simm.s32 $0x480;
	s28 =	simm.s32 $0x12500  }
0x34: {  	[tilespmem:s28], [sflag:$0x2] =	stream.indirect.gather [hbm4b:s2+s12], $0x40, s31, s12, $0xb8;
	[tilespmem:$0x15900] =	vst v63  }
0x35: {  	_ =	swait.ge [sflag:s1], $0x2000  }
0x36: {  	[sflag:s1] =	ssyncset.done $0x0  }
0x37: {  	[sflag:s1] =	ssyncadd.s32 $0xFFFFE000  }
0x38: {  	_ =	swait.ge [sflag:s1], $0x2000  }
0x39: {  	[sflag:s1] =	ssyncset.done $0x0  }
0x3a: {  	[sflag:s1] =	ssyncadd.s32 $0xFFFFE000  }
0x3b: {  	_ =	swait.ge [sflag:s1], $0x2000  }
0x3c: {  	[sflag:s1] =	ssyncset.done $0x0  }
0x3d: {  	[sflag:s1] =	ssyncadd.s32 $0xFFFFE000  }
0x3e: {  	_ =	swait.ge [sflag:s1], $0x2000  }
0x3f: {  	[sflag:s1] =	ssyncset.done $0x0  }
0x40: {  	[sflag:s1] =	ssyncadd.s32 $0xFFFFE000  }
0x41: {  	_ =	swait.ge [sflag:s1], $0x2000  }
0x42: {  	[sflag:s1] =	ssyncset.done $0x0  }
0x43: {  	s26 =	simm.s32 $0x0;
	s28 =	simm.s32 $0x580;
	[sflag:s1] =	ssyncadd.s32 $0xFFFFE000  }
.LBB2_3:
0x44: {  	v0 =	vmov s28;
	_ =	sdelay $0x3  }
0x45: {  	s29 =	simm.s32 $0x0  }
0x46: {  	v1 =	vld.idx.msk [tilespmem:v0+s29+$0x40 ss:$0x1], $0xffff  }
0x47: {  	v2 =	vld.idx.msk [tilespmem:v0+s29+$0x50 ss:$0x1], $0xffff  }
0x48: {  	v4 =	vld.idx.msk [tilespmem:v0+s29+$0x60 ss:$0x1], $0xffff  }
0x49: {  	v5 =	vld.idx.msk [tilespmem:v0+s29+$0x0 ss:$0x1], $0xffff  }
0x4a: {  	v10 =	vld.idx.msk [tilespmem:v0+s29+$0x10 ss:$0x1], $0xffff  }
0x4b: {  	v11 =	vld.idx.msk [tilespmem:v0+s29+$0x20 ss:$0x1], $0xffff  }
0x4c: {  	v12 =	vld.idx.msk [tilespmem:v0+s29+$0xFFFFFFC0 ss:$0x1], $0xffff  }
0x4d: {  	v17 =	vld.idx.msk [tilespmem:v0+s29+$0xFFFFFF80 ss:$0x1], $0xffff  }
0x4e: {  	v3 =	vimm.f32 $0.0e+00;
	v19 =	vld.idx.msk [tilespmem:v0+s29+$0xFFFFFF90 ss:$0x1], $0xffff;
	v8 =	vshll.u32 v1, $0x10;
	v9 =	vand.u32 $0xFFFF0000, v1  }
0x4f: {  	v18 =	vld.idx.msk [tilespmem:v0+s29+$0xFFFFFFD0 ss:$0x1], $0xffff;
	v6 =	vshll.u32 v2, $0x10;
	v7 =	vand.u32 $0xFFFF0000, v2;
	v1 =	vshll.u32 v4, $0x10  }
0x50: {  	v13 =	vshll.u32 v5, $0x10;
	v14 =	vand.u32 $0xFFFF0000, v5;
	v2 =	vand.u32 $0xFFFF0000, v4  }
0x51: {  	v15 =	vshll.u32 v10, $0x10;
	v16 =	vand.u32 $0xFFFF0000, v10;
	v4 =	vshll.u32 v11, $0x10  }
0x52: {  	v21 =	vshll.u32 v12, $0x10;
	v22 =	vand.u32 $0xFFFF0000, v12;
	v5 =	vand.u32 $0xFFFF0000, v11  }
0x53: {  	v20 =	vld.idx.msk [tilespmem:v0+s29+$0xFFFFFFE0 ss:$0x1], $0xffff;
	v10 =	vshll.u32 v17, $0x10;
	v11 =	vand.u32 $0xFFFF0000, v17;
	v12 =	vshll.u32 v19, $0x10  }
0x54: {  	v27 =	vshll.u32 v18, $0x10;
	v23 =	vadd.f32 v10, v3;
	v24 =	vadd.f32 v11, v3  }
0x55: {  	v10 =	vand.u32 $0xFFFF0000, v19;
	v19 =	vld.idx.msk [tilespmem:v0+s29+$0xFFFFFFA0 ss:$0x1], $0xffff;
	v25 =	vadd.f32 v12, v3;
	v12 =	vimm.f32 $0.0e+00  }
0x56: {  	s30 =	simm.s32 $0x400;
	v17 =	vld.idx.msk [tilespmem:v0+s29+$0xFFFFFFB0 ss:$0x1], $0xffff;
	v11 =	vimm.f32 $0.0e+00;
	v26 =	vadd.f32 v10, v3;
	v10 =	vimm.f32 $0.0e+00  }
.LBB2_4:
0x57: {  	p0 =	sne.s32 s30, $0x1C00;
	v21 =	vadd.f32 v21, v23;
	v22 =	vadd.f32 v22, v24;
	v18 =	vand.u32 $0xFFFF0000, v18  }
0x58: {  	v24 =	vshll.u32 v20, $0x10;
	v23 =	vadd.f32 v27, v25;
	v18 =	vadd.f32 v18, v26;
	v25 =	vld.idx.msk [tilespmem:v0+s29+$0xFFFFFFF0 ss:$0x1], $0xffff  }
0x59: {  	v20 =	vand.u32 $0xFFFF0000, v20;
	v13 =	vadd.f32 v13, v21;
	v14 =	vadd.f32 v14, v22  }
0x5a: {  	s31 =	sshra.s32 s30, $0x2;
	v21 =	vshll.u32 v19, $0x10;
	v15 =	vadd.f32 v15, v23;
	v16 =	vadd.f32 v16, v18;
	v18 =	vld.idx.msk [tilespmem:v0+s29+$0x30 ss:$0x1], $0xffff  }
0x5b: {  	v19 =	vand.u32 $0xFFFF0000, v19;
	v22 =	vld.idx.msk [tilespmem:v0+s31+$0x40 ss:$0x1], $0xffff;
	v23 =	vadd.f32 v8, v13;
	v26 =	vadd.f32 v9, v14  }
0x5c: {  	v8 =	vshll.u32 v17, $0x10;
	v27 =	vadd.f32 v6, v15;
	v28 =	vadd.f32 v7, v16;
	v6 =	vld.idx.msk [tilespmem:v0+s29+$0x70 ss:$0x1], $0xffff;
	s29 =	smov.u32 s31  }
0x5d: {  	v3 =	vadd.f32 v21, v3;
	v9 =	vadd.f32 v19, v12;
	v12 =	vand.u32 $0xFFFF0000, v17;
	v7 =	vld.idx.msk [tilespmem:v0+s29+$0x50 ss:$0x1], $0xffff  }
0x5e: {  	v8 =	vadd.f32 v8, v10;
	v10 =	vadd.f32 v12, v11;
	v11 =	vshll.u32 v25, $0x10;
	v15 =	vld.idx.msk [tilespmem:v0+s29+$0x60 ss:$0x1], $0xffff  }
0x5f: {  	v3 =	vadd.f32 v24, v3;
	v9 =	vadd.f32 v20, v9;
	v12 =	vand.u32 $0xFFFF0000, v25;
	v14 =	vld.idx.msk [tilespmem:v0+s29+$0x0 ss:$0x1], $0xffff  }
0x60: {  	v8 =	vadd.f32 v11, v8;
	v10 =	vadd.f32 v12, v10;
	v11 =	vshll.u32 v18, $0x10;
	v16 =	vld.idx.msk [tilespmem:v0+s29+$0x10 ss:$0x1], $0xffff  }
0x61: {  	v3 =	vadd.f32 v4, v3;
	v4 =	vadd.f32 v5, v9;
	v5 =	vand.u32 $0xFFFF0000, v18;
	v17 =	vld.idx.msk [tilespmem:v0+s29+$0x20 ss:$0x1], $0xffff  }
0x62: {  	v8 =	vadd.f32 v11, v8;
	v5 =	vadd.f32 v5, v10;
	v9 =	vshll.u32 v6, $0x10;
	v19 =	vld.idx.msk [tilespmem:v0+s29+$0xFFFFFFC0 ss:$0x1], $0xffff  }
0x63: {  	v3 =	vadd.f32 v1, v3;
	v12 =	vadd.f32 v2, v4;
	v1 =	vand.u32 $0xFFFF0000, v6;
	v24 =	vld.idx.msk [tilespmem:v0+s29+$0xFFFFFF80 ss:$0x1], $0xffff  }
0x64: {  	v10 =	vadd.f32 v9, v8;
	v11 =	vadd.f32 v1, v5;
	v25 =	vld.idx.msk [tilespmem:v0+s29+$0xFFFFFF90 ss:$0x1], $0xffff  }
0x65: {  	v8 =	vshll.u32 v22, $0x10;
	v9 =	vand.u32 $0xFFFF0000, v22  }
0x66: {  	v6 =	vshll.u32 v7, $0x10;
	v7 =	vand.u32 $0xFFFF0000, v7;
	v1 =	vshll.u32 v15, $0x10;
	v18 =	vld.idx.msk [tilespmem:v0+s29+$0xFFFFFFD0 ss:$0x1], $0xffff  }
0x67: {  	v2 =	vand.u32 $0xFFFF0000, v15;
	v13 =	vshll.u32 v14, $0x10;
	v14 =	vand.u32 $0xFFFF0000, v14  }
.Ltmp0:
0x68: {  	v15 =	vshll.u32 v16, $0x10;
	v16 =	vand.u32 $0xFFFF0000, v16;
	v4 =	vshll.u32 v17, $0x10;
	v20 =	vld.idx.msk [tilespmem:v0+s29+$0xFFFFFFE0 ss:$0x1], $0xffff;
	(pc) =	sbr.rel @p0 .LBB2_4-.Ltmp0, $4  }
0x69: {  	v5 =	vand.u32 $0xFFFF0000, v17;
	v21 =	vshll.u32 v19, $0x10;
	v22 =	vand.u32 $0xFFFF0000, v19  }
0x6a: {  	v17 =	vshll.u32 v24, $0x10;
	v24 =	vand.u32 $0xFFFF0000, v24;
	v29 =	vshll.u32 v25, $0x10;
	v19 =	vld.idx.msk [tilespmem:v0+s29+$0xFFFFFFA0 ss:$0x1], $0xffff  }
0x6b: {  	v23 =	vadd.f32 v17, v23;
	v24 =	vadd.f32 v24, v26;
	v17 =	vand.u32 $0xFFFF0000, v25  }
0x6c: {  	s30 =	sadd.s32 $0x400, s30;
	v25 =	vadd.f32 v29, v27;
	v26 =	vadd.f32 v17, v28;
	v27 =	vshll.u32 v18, $0x10;
	v17 =	vld.idx.msk [tilespmem:v0+s29+$0xFFFFFFB0 ss:$0x1], $0xffff  }
0x6d: {  	_ =	sdelay $0x1  }
0x6e: {  	v21 =	vadd.f32 v21, v23;
	v22 =	vadd.f32 v22, v24;
	v18 =	vand.u32 $0xFFFF0000, v18  }
0x6f: {  	v45 =	vshll.u32 v20, $0x10;
	v44 =	vadd.f32 v27, v25;
	v18 =	vadd.f32 v18, v26  }
0x70: {  	v46 =	vld.idx.msk [tilespmem:v0+s29+$0xFFFFFFF0 ss:$0x1], $0xffff;
	v13 =	vadd.f32 v13, v21;
	v14 =	vadd.f32 v14, v22;
	v48 =	vshll.u32 v19, $0x10  }
0x71: {  	v49 =	vld.idx.msk [tilespmem:v0+s29+$0x30 ss:$0x1], $0xffff;
	v50 =	vand.u32 $0xFFFF0000, v19;
	v15 =	vadd.f32 v15, v44;
	v16 =	vadd.f32 v16, v18  }
0x72: {  	v47 =	vand.u32 $0xFFFF0000, v20;
	v54 =	vld.idx.msk [tilespmem:v0+s29+$0x70 ss:$0x1], $0xffff;
	v3 =	vadd.f32 v48, v3;
	v12 =	vadd.f32 v50, v12  }
0x73: {  	v8 =	vadd.f32 v8, v13;
	v9 =	vadd.f32 v9, v14;
	v51 =	vshll.u32 v17, $0x10  }
0x74: {  	v52 =	vand.u32 $0xFFFF0000, v17;
	v6 =	vadd.f32 v6, v15;
	v7 =	vadd.f32 v7, v16  }
0x75: {  	v10 =	vadd.f32 v51, v10;
	v11 =	vadd.f32 v52, v11;
	v53 =	vshll.u32 v46, $0x10  }
0x76: {  	v3 =	vadd.f32 v45, v3;
	v12 =	vadd.f32 v47, v12;
	v55 =	vand.u32 $0xFFFF0000, v46  }
0x77: {  	v56 =	vshll.u32 v49, $0x10;
	v59 =	vand.u32 $0xFFFF0000, v49;
	v61 =	vshll.u32 v54, $0x10  }
0x78: {  	s31 =	sshll.u32 s26, $0x7;
	v58 =	vmul.f32 $3.125000000e-02, v8;
	v10 =	vadd.f32 v53, v10;
	v3 =	vadd.f32 v4, v3  }
0x79: {  	s29 =	sand.u32 $0x3FFFFF80, s31;
	v9 =	vmul.f32 $3.125000000e-02, v9;
	v11 =	vadd.f32 v55, v11;
	v57 =	vadd.f32 v5, v12  }
0x7a: {  	v60 =	vmul.f32 $3.125000000e-02, v6;
	[tilespmem:s29+$0x14500] =	vst v58;
	v10 =	vadd.f32 v56, v10;
	v1 =	vadd.f32 v1, v3  }
0x7b: {  	s26 =	sadd.s32 $0x1, s26;
	v62 =	vmul.f32 $3.125000000e-02, v7;
	[tilespmem:s29+$0x14540] =	vst v9;
	v8 =	vadd.f32 v59, v11;
	v2 =	vadd.f32 v2, v57  }
0x7c: {  	p0 =	sne.s32 s26, $0x14;
	v0 =	vand.u32 $0xFFFF0000, v54;
	[tilespmem:s29+$0x14510] =	vst v60;
	v5 =	vadd.f32 v61, v10;
	v1 =	vmul.f32 $3.125000000e-02, v1  }
.Ltmp1:
0x7d: {  	[tilespmem:s29+$0x14550] =	vst v62;
	v0 =	vadd.f32 v0, v8;
	v2 =	vmul.f32 $3.125000000e-02, v2;
	(pc) =	sbr.rel @p0 .LBB2_3-.Ltmp1, $4  }
0x7e: {  	[tilespmem:s29+$0x14520] =	vst v1;
	v63 =	vmul.f32 $3.125000000e-02, v5  }
0x7f: {  	[tilespmem:s29+$0x14560] =	vst v2;
	v0 =	vmul.f32 $3.125000000e-02, v0  }
0x80: {  	[tilespmem:s29+$0x14530] =	vst v63  }
0x81: {  	s28 =	sadd.s32 $0x800, s28;
	[tilespmem:s29+$0x14570] =	vst v0  }
0x82: {  	s26 =	sadd.s32 s6, s25  }
0x83: {  	s25 =	sadd.s32 s25, s9;
	p0 =	slt.s32 s26, $0x26FC  }
0x84: {  	s26 =	simm.s32 @!p0 $0x26FC;
	p0 =	slt.s32 s25, $0x26FC  }
0x85: {  	s26 =	sshll.u32 s26, $0x4;
	s25 =	simm.s32 @!p0 $0x26FC  }
0x86: {  	s28 =	sadd.s32 s3, s26;
	s26 =	simm.s32 $0x0;
	s25 =	sshll.u32 s25, $0x2  }
0x87: {  	[hbm4b:s28+s26] =	stream.linear.scatter [tilespmem:s0], [sflag:$0x3], $0xA00, $0x38;
	[tilespmem:$0x15900] =	vst v63  }
0x88: {  	s25 =	sadd.s32 s5, s25  }
0x89: {  	[tilespmem:s26], [sflag:$0x5] =	stream.linear.gather [hbm4b:s25+s26], $0x280, $0x38;
	[tilespmem:$0x15900] =	vst v63  }
0x8a: {  	_ =	swait.ge [sflag:s11], $0x280  }
0x8b: {  	[sflag:s11] =	ssyncset.done $0x0  }
0x8c: {  	[sflag:s11] =	ssyncadd.s32 $0xFFFFFD80  }
0x8d: {  	_ =	swait.ge [sflag:s7], $0xA00  }
0x8e: {  	[sflag:s7] =	ssyncset.done $0x0  }
0x8f: {  	[sflag:s7] =	ssyncadd.s32 $0xFFFFF600  }
0x90: {  	[tilespmem:s13], [sflag:$0x1] =	stream.indirect.gather [hbm4b:s2+s12], $0x40, s26, s12, $0xb8;
	[tilespmem:$0x15900] =	vst v63  }
0x91: {  	_ = 	snop  }
0x92: {  	[tilespmem:s14], [sflag:$0x1] =	stream.indirect.gather [hbm4b:s2+s12], $0x40, s12, s12, $0xb8;
	[tilespmem:$0x15900] =	vst v63  }
0x93: {  	_ = 	snop  }
0x94: {  	[tilespmem:s16], [sflag:$0x1] =	stream.indirect.gather [hbm4b:s2+s12], $0x40, s15, s12, $0xb8;
	[tilespmem:$0x15900] =	vst v63  }
0x95: {  	_ = 	snop  }
0x96: {  	[tilespmem:s18], [sflag:$0x1] =	stream.indirect.gather [hbm4b:s2+s12], $0x40, s17, s12, $0xb8;
	[tilespmem:$0x15900] =	vst v63  }
0x97: {  	_ = 	snop  }
0x98: {  	[tilespmem:s20], [sflag:$0x1] =	stream.indirect.gather [hbm4b:s2+s12], $0x40, s19, s12, $0xb8;
	[tilespmem:$0x15900] =	vst v63  }
0x99: {  	_ =	swait.ge [sflag:s10], $0x2000  }
0x9a: {  	[sflag:s10] =	ssyncset.done $0x0  }
0x9b: {  	[sflag:s10] =	ssyncadd.s32 $0xFFFFE000  }
0x9c: {  	_ =	swait.ge [sflag:s10], $0x2000  }
0x9d: {  	[sflag:s10] =	ssyncset.done $0x0  }
0x9e: {  	[sflag:s10] =	ssyncadd.s32 $0xFFFFE000  }
0x9f: {  	_ =	swait.ge [sflag:s10], $0x2000  }
0xa0: {  	[sflag:s10] =	ssyncset.done $0x0  }
0xa1: {  	[sflag:s10] =	ssyncadd.s32 $0xFFFFE000  }
0xa2: {  	_ =	swait.ge [sflag:s10], $0x2000  }
0xa3: {  	[sflag:s10] =	ssyncset.done $0x0  }
0xa4: {  	[sflag:s10] =	ssyncadd.s32 $0xFFFFE000  }
0xa5: {  	_ =	swait.ge [sflag:s10], $0x2000  }
0xa6: {  	[sflag:s10] =	ssyncset.done $0x0  }
0xa7: {  	s25 =	simm.s32 $0xA580;
	[sflag:s10] =	ssyncadd.s32 $0xFFFFE000  }
.LBB2_7:
0xa8: {  	v0 =	vmov s25;
	_ =	sdelay $0x3  }
0xa9: {  	s28 =	simm.s32 $0x0  }
0xaa: {  	v1 =	vld.idx.msk [tilespmem:v0+s28+$0x40 ss:$0x1], $0xffff  }
0xab: {  	v2 =	vld.idx.msk [tilespmem:v0+s28+$0x50 ss:$0x1], $0xffff  }
0xac: {  	v4 =	vld.idx.msk [tilespmem:v0+s28+$0x60 ss:$0x1], $0xffff  }
0xad: {  	v5 =	vld.idx.msk [tilespmem:v0+s28+$0x0 ss:$0x1], $0xffff  }
0xae: {  	v10 =	vld.idx.msk [tilespmem:v0+s28+$0x10 ss:$0x1], $0xffff  }
0xaf: {  	v11 =	vld.idx.msk [tilespmem:v0+s28+$0x20 ss:$0x1], $0xffff  }
0xb0: {  	v12 =	vld.idx.msk [tilespmem:v0+s28+$0xFFFFFFC0 ss:$0x1], $0xffff  }
0xb1: {  	v17 =	vld.idx.msk [tilespmem:v0+s28+$0xFFFFFF80 ss:$0x1], $0xffff  }
0xb2: {  	v3 =	vimm.f32 $0.0e+00;
	v19 =	vld.idx.msk [tilespmem:v0+s28+$0xFFFFFF90 ss:$0x1], $0xffff;
	v8 =	vshll.u32 v1, $0x10;
	v9 =	vand.u32 $0xFFFF0000, v1  }
0xb3: {  	v18 =	vld.idx.msk [tilespmem:v0+s28+$0xFFFFFFD0 ss:$0x1], $0xffff;
	v6 =	vshll.u32 v2, $0x10;
	v7 =	vand.u32 $0xFFFF0000, v2;
	v1 =	vshll.u32 v4, $0x10  }
0xb4: {  	v13 =	vshll.u32 v5, $0x10;
	v14 =	vand.u32 $0xFFFF0000, v5;
	v2 =	vand.u32 $0xFFFF0000, v4  }
0xb5: {  	v15 =	vshll.u32 v10, $0x10;
	v16 =	vand.u32 $0xFFFF0000, v10;
	v4 =	vshll.u32 v11, $0x10  }
0xb6: {  	v21 =	vshll.u32 v12, $0x10;
	v22 =	vand.u32 $0xFFFF0000, v12;
	v5 =	vand.u32 $0xFFFF0000, v11  }
0xb7: {  	v20 =	vld.idx.msk [tilespmem:v0+s28+$0xFFFFFFE0 ss:$0x1], $0xffff;
	v10 =	vshll.u32 v17, $0x10;
	v11 =	vand.u32 $0xFFFF0000, v17;
	v12 =	vshll.u32 v19, $0x10  }
0xb8: {  	v27 =	vshll.u32 v18, $0x10;
	v23 =	vadd.f32 v10, v3;
	v24 =	vadd.f32 v11, v3  }
0xb9: {  	v10 =	vand.u32 $0xFFFF0000, v19;
	v19 =	vld.idx.msk [tilespmem:v0+s28+$0xFFFFFFA0 ss:$0x1], $0xffff;
	v25 =	vadd.f32 v12, v3;
	v12 =	vimm.f32 $0.0e+00  }
0xba: {  	s29 =	simm.s32 $0x400;
	v17 =	vld.idx.msk [tilespmem:v0+s28+$0xFFFFFFB0 ss:$0x1], $0xffff;
	v11 =	vimm.f32 $0.0e+00;
	v26 =	vadd.f32 v10, v3;
	v10 =	vimm.f32 $0.0e+00  }
.LBB2_8:
0xbb: {  	p0 =	sne.s32 s29, $0x1C00;
	v21 =	vadd.f32 v21, v23;
	v22 =	vadd.f32 v22, v24;
	v18 =	vand.u32 $0xFFFF0000, v18  }
0xbc: {  	v24 =	vshll.u32 v20, $0x10;
	v23 =	vadd.f32 v27, v25;
	v18 =	vadd.f32 v18, v26;
	v25 =	vld.idx.msk [tilespmem:v0+s28+$0xFFFFFFF0 ss:$0x1], $0xffff  }
0xbd: {  	v20 =	vand.u32 $0xFFFF0000, v20;
	v13 =	vadd.f32 v13, v21;
	v14 =	vadd.f32 v14, v22  }
0xbe: {  	s30 =	sshra.s32 s29, $0x2;
	v21 =	vshll.u32 v19, $0x10;
	v15 =	vadd.f32 v15, v23;
	v16 =	vadd.f32 v16, v18;
	v18 =	vld.idx.msk [tilespmem:v0+s28+$0x30 ss:$0x1], $0xffff  }
0xbf: {  	v19 =	vand.u32 $0xFFFF0000, v19;
	v22 =	vld.idx.msk [tilespmem:v0+s30+$0x40 ss:$0x1], $0xffff;
	v23 =	vadd.f32 v8, v13;
	v26 =	vadd.f32 v9, v14  }
0xc0: {  	v8 =	vshll.u32 v17, $0x10;
	v27 =	vadd.f32 v6, v15;
	v28 =	vadd.f32 v7, v16;
	v6 =	vld.idx.msk [tilespmem:v0+s28+$0x70 ss:$0x1], $0xffff;
	s28 =	smov.u32 s30  }
0xc1: {  	v3 =	vadd.f32 v21, v3;
	v9 =	vadd.f32 v19, v12;
	v12 =	vand.u32 $0xFFFF0000, v17;
	v7 =	vld.idx.msk [tilespmem:v0+s28+$0x50 ss:$0x1], $0xffff  }
0xc2: {  	v8 =	vadd.f32 v8, v10;
	v10 =	vadd.f32 v12, v11;
	v11 =	vshll.u32 v25, $0x10;
	v15 =	vld.idx.msk [tilespmem:v0+s28+$0x60 ss:$0x1], $0xffff  }
0xc3: {  	v3 =	vadd.f32 v24, v3;
	v9 =	vadd.f32 v20, v9;
	v12 =	vand.u32 $0xFFFF0000, v25;
	v14 =	vld.idx.msk [tilespmem:v0+s28+$0x0 ss:$0x1], $0xffff  }
0xc4: {  	v8 =	vadd.f32 v11, v8;
	v10 =	vadd.f32 v12, v10;
	v11 =	vshll.u32 v18, $0x10;
	v16 =	vld.idx.msk [tilespmem:v0+s28+$0x10 ss:$0x1], $0xffff  }
0xc5: {  	v3 =	vadd.f32 v4, v3;
	v4 =	vadd.f32 v5, v9;
	v5 =	vand.u32 $0xFFFF0000, v18;
	v17 =	vld.idx.msk [tilespmem:v0+s28+$0x20 ss:$0x1], $0xffff  }
0xc6: {  	v8 =	vadd.f32 v11, v8;
	v5 =	vadd.f32 v5, v10;
	v9 =	vshll.u32 v6, $0x10;
	v19 =	vld.idx.msk [tilespmem:v0+s28+$0xFFFFFFC0 ss:$0x1], $0xffff  }
0xc7: {  	v3 =	vadd.f32 v1, v3;
	v12 =	vadd.f32 v2, v4;
	v1 =	vand.u32 $0xFFFF0000, v6;
	v24 =	vld.idx.msk [tilespmem:v0+s28+$0xFFFFFF80 ss:$0x1], $0xffff  }
0xc8: {  	v10 =	vadd.f32 v9, v8;
	v11 =	vadd.f32 v1, v5;
	v25 =	vld.idx.msk [tilespmem:v0+s28+$0xFFFFFF90 ss:$0x1], $0xffff  }
0xc9: {  	v8 =	vshll.u32 v22, $0x10;
	v9 =	vand.u32 $0xFFFF0000, v22  }
0xca: {  	v6 =	vshll.u32 v7, $0x10;
	v7 =	vand.u32 $0xFFFF0000, v7;
	v1 =	vshll.u32 v15, $0x10;
	v18 =	vld.idx.msk [tilespmem:v0+s28+$0xFFFFFFD0 ss:$0x1], $0xffff  }
0xcb: {  	v2 =	vand.u32 $0xFFFF0000, v15;
	v13 =	vshll.u32 v14, $0x10;
	v14 =	vand.u32 $0xFFFF0000, v14  }
.Ltmp2:
0xcc: {  	v15 =	vshll.u32 v16, $0x10;
	v16 =	vand.u32 $0xFFFF0000, v16;
	v4 =	vshll.u32 v17, $0x10;
	v20 =	vld.idx.msk [tilespmem:v0+s28+$0xFFFFFFE0 ss:$0x1], $0xffff;
	(pc) =	sbr.rel @p0 .LBB2_8-.Ltmp2, $4  }
0xcd: {  	v5 =	vand.u32 $0xFFFF0000, v17;
	v21 =	vshll.u32 v19, $0x10;
	v22 =	vand.u32 $0xFFFF0000, v19  }
0xce: {  	v17 =	vshll.u32 v24, $0x10;
	v24 =	vand.u32 $0xFFFF0000, v24;
	v29 =	vshll.u32 v25, $0x10;
	v19 =	vld.idx.msk [tilespmem:v0+s28+$0xFFFFFFA0 ss:$0x1], $0xffff  }
0xcf: {  	v23 =	vadd.f32 v17, v23;
	v24 =	vadd.f32 v24, v26;
	v17 =	vand.u32 $0xFFFF0000, v25  }
0xd0: {  	s29 =	sadd.s32 $0x400, s29;
	v25 =	vadd.f32 v29, v27;
	v26 =	vadd.f32 v17, v28;
	v27 =	vshll.u32 v18, $0x10;
	v17 =	vld.idx.msk [tilespmem:v0+s28+$0xFFFFFFB0 ss:$0x1], $0xffff  }
0xd1: {  	_ =	sdelay $0x1  }
0xd2: {  	v21 =	vadd.f32 v21, v23;
	v22 =	vadd.f32 v22, v24;
	v18 =	vand.u32 $0xFFFF0000, v18  }
0xd3: {  	v45 =	vshll.u32 v20, $0x10;
	v44 =	vadd.f32 v27, v25;
	v18 =	vadd.f32 v18, v26  }
0xd4: {  	v46 =	vld.idx.msk [tilespmem:v0+s28+$0xFFFFFFF0 ss:$0x1], $0xffff;
	v13 =	vadd.f32 v13, v21;
	v14 =	vadd.f32 v14, v22;
	v48 =	vshll.u32 v19, $0x10  }
0xd5: {  	v49 =	vld.idx.msk [tilespmem:v0+s28+$0x30 ss:$0x1], $0xffff;
	v50 =	vand.u32 $0xFFFF0000, v19;
	v15 =	vadd.f32 v15, v44;
	v16 =	vadd.f32 v16, v18  }
0xd6: {  	v47 =	vand.u32 $0xFFFF0000, v20;
	v54 =	vld.idx.msk [tilespmem:v0+s28+$0x70 ss:$0x1], $0xffff;
	v3 =	vadd.f32 v48, v3;
	v12 =	vadd.f32 v50, v12  }
0xd7: {  	v8 =	vadd.f32 v8, v13;
	v9 =	vadd.f32 v9, v14;
	v51 =	vshll.u32 v17, $0x10  }
0xd8: {  	v52 =	vand.u32 $0xFFFF0000, v17;
	v6 =	vadd.f32 v6, v15;
	v7 =	vadd.f32 v7, v16  }
0xd9: {  	v10 =	vadd.f32 v51, v10;
	v11 =	vadd.f32 v52, v11;
	v53 =	vshll.u32 v46, $0x10  }
0xda: {  	v3 =	vadd.f32 v45, v3;
	v12 =	vadd.f32 v47, v12;
	v55 =	vand.u32 $0xFFFF0000, v46  }
0xdb: {  	v56 =	vshll.u32 v49, $0x10;
	v59 =	vand.u32 $0xFFFF0000, v49;
	v61 =	vshll.u32 v54, $0x10  }
0xdc: {  	s31 =	sshll.u32 s26, $0x7;
	v58 =	vmul.f32 $3.125000000e-02, v8;
	v10 =	vadd.f32 v53, v10;
	v3 =	vadd.f32 v4, v3  }
0xdd: {  	s28 =	sand.u32 $0x3FFFFF80, s31;
	v9 =	vmul.f32 $3.125000000e-02, v9;
	v11 =	vadd.f32 v55, v11;
	v57 =	vadd.f32 v5, v12  }
0xde: {  	v60 =	vmul.f32 $3.125000000e-02, v6;
	[tilespmem:s28+$0x14F00] =	vst v58;
	v10 =	vadd.f32 v56, v10;
	v1 =	vadd.f32 v1, v3  }
0xdf: {  	s26 =	sadd.s32 $0x1, s26;
	v62 =	vmul.f32 $3.125000000e-02, v7;
	[tilespmem:s28+$0x14F40] =	vst v9;
	v8 =	vadd.f32 v59, v11;
	v2 =	vadd.f32 v2, v57  }
0xe0: {  	p0 =	sne.s32 s26, $0x14;
	v0 =	vand.u32 $0xFFFF0000, v54;
	[tilespmem:s28+$0x14F10] =	vst v60;
	v5 =	vadd.f32 v61, v10;
	v1 =	vmul.f32 $3.125000000e-02, v1  }
.Ltmp3:
0xe1: {  	[tilespmem:s28+$0x14F50] =	vst v62;
	v0 =	vadd.f32 v0, v8;
	v2 =	vmul.f32 $3.125000000e-02, v2;
	(pc) =	sbr.rel @p0 .LBB2_7-.Ltmp3, $4  }
0xe2: {  	[tilespmem:s28+$0x14F20] =	vst v1;
	v63 =	vmul.f32 $3.125000000e-02, v5  }
0xe3: {  	[tilespmem:s28+$0x14F60] =	vst v2;
	v0 =	vmul.f32 $3.125000000e-02, v0  }
0xe4: {  	[tilespmem:s28+$0x14F30] =	vst v63  }
0xe5: {  	s25 =	sadd.s32 $0x800, s25;
	[tilespmem:s28+$0x14F70] =	vst v0  }
0xe6: {  	s23 =	sadd.s32 $0x1, s23  }
0xe7: {  	p0 =	sne.s32 s23, $0x8  }
.Ltmp4:
0xe8: {  	_ = 	snop;
	(pc) =	sbr.rel @p0 .LBB2_2-.Ltmp4, $4  }
0xe9: {  	_ = 	snop  }
0xea: {  	s24 =	sshll.u32 s24, $0x4  }
0xeb: {  	s24 =	sadd.s32 s3, s24  }
0xec: {  	[hbm4b:s24+s4] =	stream.linear.scatter [tilespmem:s22], [sflag:$0x4], $0xA00, $0x38;
	[tilespmem:$0x15900] =	vst v63  }
0xed: {  	_ =	swait.ge [sflag:s1], $0x2000  }
0xee: {  	[sflag:s1] =	ssyncset.done $0x0  }
0xef: {  	[sflag:s1] =	ssyncadd.s32 $0xFFFFE000  }
0xf0: {  	_ =	swait.ge [sflag:s1], $0x2000  }
0xf1: {  	[sflag:s1] =	ssyncset.done $0x0  }
0xf2: {  	[sflag:s1] =	ssyncadd.s32 $0xFFFFE000  }
0xf3: {  	_ =	swait.ge [sflag:s1], $0x2000  }
0xf4: {  	[sflag:s1] =	ssyncset.done $0x0  }
0xf5: {  	[sflag:s1] =	ssyncadd.s32 $0xFFFFE000  }
0xf6: {  	_ =	swait.ge [sflag:s1], $0x2000  }
0xf7: {  	[sflag:s1] =	ssyncset.done $0x0  }
0xf8: {  	[sflag:s1] =	ssyncadd.s32 $0xFFFFE000  }
0xf9: {  	_ =	swait.ge [sflag:s1], $0x2000  }
0xfa: {  	[sflag:s1] =	ssyncset.done $0x0  }
0xfb: {  	s24 =	simm.s32 $0x4;
	[sflag:s1] =	ssyncadd.s32 $0xFFFFE000  }
0xfc: {  	_ =	swait.ge [sflag:s24], $0xA00  }
0xfd: {  	s25 =	rddreg [dreg:$0x6]  }
0xfe: {  	s23 =	rddreg [dreg:$0x5];
	s25 =	sadd.s32 $0x1, s25  }
0xff: {  	p0 =	sne.s32 s25, s23  }
.Ltmp5:
0x100: {  	_ = 	snop;
	(pc) =	sbr.rel @p0 .LBB2_1-.Ltmp5, $3  }
0x101: {  	_ =	sdelay $0x1  }
0x102: {  	[sflag:s24] =	ssyncset.done $0x0  }
0x103: {  	[sflag:s24] =	ssyncadd.s32 $0xFFFFF600  }
0x104: {  	_ =	sfence.sel $0x180000  }
0x105: {  	[bflag:$0x0] =	sbarrier.arrive $0xFFFF  }
0x106: {  	_ =	strace $0x9000004A  }
0x107: {  	s0 =	stileid.u32;
	[bflag:$0x2] =	sbarrier.arrive $0xFFFF  }
0x108: {  	p0 =	sne.s32 s0, $0x0;
	s0 =	rddreg [dreg:$0x3]  }
0x109: {  	s0 =	sadd.s32 @!p0 $0x100000, s0  }
0x10a: {  	[sflag:s0] =	ssyncadd.tile.s32 @!p0 $0x1;
	_ =	shalt  }
.Lfunc_end2:
_tile_overlayer_lowered:
.L_overlay_start_2:
0x10b: {  	(tag) =	ssettag $0x2  }
0x10c: {  	s0 =	rddreg [dreg:$0x0];
	s2 =	stileid.u32  }
0x10d: {  	s1 =	rddreg [dreg:$0x1];
	p0 =	sne.s32 s2, $0x0  }
0x10e: {  	s3 =	rddreg [dreg:$0x2];
	[bflag:$0x3] =	sbarrier.arrive $0xFFFF;
	s2 =	simm.s32 @!p0 $0x1C05  }
0x10f: {  	[timem:s3], [sflag:s2] =	dma.local @!p0 [hbm:s0], s1  }
0x110: {  	s0 =	simm.s32 @!p0 $0x5  }
0x111: {  	_ =	swait.ge @!p0 [sflag:s0], s1  }
0x112: {  	s1 =	ssub.s32 @!p0 $0x0, s1;
	[sflag:s0] =	ssyncset.done @!p0 $0x0  }
0x113: {  	[sflag:s0] =	ssyncadd.s32 @!p0 s1  }
0x114: {  	[bflag:$0x3] =	sbarrier.arrive $0xFFFF  }
0x115: {  	_ =	shalt  }

</sc_bundles>
